<compile_context>
chip_gen: v7x
topology: tpu7x:2x2x1
jax: 0.10.2.dev20260603
libtpu: 0.0.44.dev20260713+nightly
codegen_flags: <defaults>
</compile_context>

<pallas_src>
import jax
import jax.numpy as jnp
from jax import lax
from jax.experimental import pallas as pl
from jax.experimental.pallas import tpu as pltpu
from jax.experimental.pallas import tpu_sc as plsc

NC, NS, L = 2, 16, 16
B = 16384
HB = B // 2
V_DRV, V_WEEK, V_TIME = 24000, 7, 1440
D_DRV, D_WEEK, D_TIME = 16, 3, 8
D_OUT = D_DRV + D_WEEK + D_TIME + 1
UNROLL = 8
HGROUPS = HB // L


def _gather_loop(idx_v, tab_v, col_v):
  @plsc.parallel_loop(0, HGROUPS, step=1, unroll=UNROLL)
  def _(g):
    off = g * L
    iv = idx_v[pl.ds(off, L)]
    col_v[pl.ds(off, L)] = plsc.load_gather(tab_v, [iv])


def _prep(wd_ref, wt_ref, ww_ref, od_ref, ot_ref, ow_ref):
  for c in range(D_DRV):
    od_ref[pl.ds(c * V_DRV, V_DRV)] = wd_ref[c, :]
  for c in range(D_TIME):
    ot_ref[pl.ds(c * V_TIME, V_TIME)] = wt_ref[c, :]
  for c in range(D_WEEK):
    ow_ref[pl.ds(c * 8, V_WEEK)] = ww_ref[c, :]


def _body(drv_hbm, wk_hbm, tm_hbm, dist_hbm, Wd_hbm, Ww_hbm, Wt_hbm,
          out_hbm, idx1_v, tab1_v, col1_v, idx2_v, tab2_v, col2_v,
          sem1, sem2, semw):
  wid = lax.axis_index("s") * NC + lax.axis_index("c")
  dcol = wid // 2
  dhalf = wid % 2
  doff = dhalf * HB

  pltpu.async_copy(Wd_hbm.at[pl.ds(dcol * V_DRV, V_DRV)], tab1_v, sem1)
  pltpu.async_copy(drv_hbm.at[pl.ds(doff, HB)], idx1_v, sem1)

  @pl.when(wid < 16)
  def _():
    pltpu.async_copy(Wt_hbm.at[pl.ds((wid // 2) * V_TIME, V_TIME)],
                     tab2_v.at[pl.ds(0, V_TIME)], sem2)
    pltpu.async_copy(tm_hbm.at[pl.ds(doff, HB)], idx2_v, sem2)

  @pl.when((wid >= 16) & (wid < 22))
  def _():
    w = wid - 16
    pltpu.async_copy(Ww_hbm.at[pl.ds((w // 2) * 8, V_WEEK)],
                     tab2_v.at[pl.ds(0, V_WEEK)], sem2)
    pltpu.async_copy(wk_hbm.at[pl.ds((w % 2) * HB, HB)], idx2_v, sem2)

  @pl.when((wid >= 22) & (wid < 24))
  def _():
    pltpu.async_copy(dist_hbm.at[pl.ds((wid - 22) * HB, HB)], col2_v, sem2)

  @pl.when(wid < 16)
  def _():
    pltpu.make_async_copy(Wt_hbm.at[pl.ds((wid // 2) * V_TIME, V_TIME)],
                          tab2_v.at[pl.ds(0, V_TIME)], sem2).wait()
    pltpu.make_async_copy(tm_hbm.at[pl.ds(doff, HB)], idx2_v, sem2).wait()
    _gather_loop(idx2_v, tab2_v, col2_v)
    dst = pl.ds((D_DRV + D_WEEK + wid // 2) * B + doff, HB)
    pltpu.async_copy(col2_v, out_hbm.at[dst], semw)

  @pl.when((wid >= 16) & (wid < 22))
  def _():
    w = wid - 16
    pltpu.make_async_copy(Ww_hbm.at[pl.ds((w // 2) * 8, V_WEEK)],
                          tab2_v.at[pl.ds(0, V_WEEK)], sem2).wait()
    pltpu.make_async_copy(wk_hbm.at[pl.ds((w % 2) * HB, HB)], idx2_v,
                          sem2).wait()
    _gather_loop(idx2_v, tab2_v, col2_v)
    dst = pl.ds((D_DRV + w // 2) * B + (w % 2) * HB, HB)
    pltpu.async_copy(col2_v, out_hbm.at[dst], semw)

  @pl.when((wid >= 22) & (wid < 24))
  def _():
    pltpu.make_async_copy(dist_hbm.at[pl.ds(0, HB)], col2_v, sem2).wait()
    dst = pl.ds((D_OUT - 1) * B + (wid - 22) * HB, HB)
    pltpu.async_copy(col2_v, out_hbm.at[dst], semw)

  pltpu.make_async_copy(Wd_hbm.at[pl.ds(dcol * V_DRV, V_DRV)], tab1_v,
                        sem1).wait()
  pltpu.make_async_copy(drv_hbm.at[pl.ds(doff, HB)], idx1_v, sem1).wait()
  _gather_loop(idx1_v, tab1_v, col1_v)
  pltpu.async_copy(col1_v, out_hbm.at[pl.ds(dcol * B + doff, HB)], semw)

  @pl.when(wid < 24)
  def _():
    pltpu.make_async_copy(col2_v, out_hbm.at[pl.ds(0, HB)], semw).wait()
  pltpu.make_async_copy(col1_v, out_hbm.at[pl.ds(dcol * B + doff, HB)],
                        semw).wait()


@jax.jit
def _run(driverID, weekID, timeID, dist, W_driver, W_week, W_time):
  wd_flat, wt_flat, ww_flat = pl.pallas_call(
      _prep,
      out_shape=[jax.ShapeDtypeStruct((D_DRV * V_DRV,), jnp.float32),
                 jax.ShapeDtypeStruct((D_TIME * V_TIME,), jnp.float32),
                 jax.ShapeDtypeStruct((D_WEEK * 8,), jnp.float32)],
  )(W_driver.T, W_time.T, W_week.T)
  mesh = plsc.VectorSubcoreMesh(core_axis_name="c", subcore_axis_name="s")
  out = pl.kernel(
      _body,
      out_type=jax.ShapeDtypeStruct((D_OUT * B,), jnp.float32),
      mesh=mesh,
      compiler_params=pltpu.CompilerParams(needs_layout_passes=False,
                                           use_tc_tiling_on_sc=False),
      scratch_types=[
          pltpu.VMEM((HB,), jnp.int32),
          pltpu.VMEM((V_DRV,), jnp.float32),
          pltpu.VMEM((HB,), jnp.float32),
          pltpu.VMEM((HB,), jnp.int32),
          pltpu.VMEM((V_TIME,), jnp.float32),
          pltpu.VMEM((HB,), jnp.float32),
          pltpu.SemaphoreType.DMA,
          pltpu.SemaphoreType.DMA,
          pltpu.SemaphoreType.DMA,
      ],
  )(driverID, weekID, timeID, dist, wd_flat, ww_flat, wt_flat)
  return out.reshape(D_OUT, B).T


def kernel(driverID, weekID, timeID, dist, W_driver, W_week, W_time):
  return _run(driverID.astype(jnp.int32), weekID.astype(jnp.int32),
              timeID.astype(jnp.int32), dist.astype(jnp.float32),
              W_driver, W_week, W_time)

# --- scband reference (transcript-rebuilt; emitter-appended) ---
"""Pipeline reference for scband-attr-970662608998 (READ-ONLY COPY).

The authoritative reference and input builder live on the scoring server;
editing this copy changes nothing except your own understanding.
"""

import jax, jax.numpy as jnp
import numpy as np


def setup_inputs(seed: int = 0) -> dict:
    key = jax.random.key(seed)
    k1, k2, k3, k4, k5, k6, k7 = jax.random.split(key, 7)
    B = 16384
    driverID = jax.random.randint(k1, (B,), 0, 24000, dtype=jnp.int64) if jax.config.jax_enable_x64 else jax.random.randint(k1, (B,), 0, 24000).astype(jnp.int32)
    weekID = jax.random.randint(k2, (B,), 0, 7).astype(driverID.dtype)
    timeID = jax.random.randint(k3, (B,), 0, 1440).astype(driverID.dtype)
    dist = jax.random.uniform(k4, (B,), dtype=jnp.float32)
    W_driver = jax.random.normal(k5, (24000, 16), dtype=jnp.float32)
    W_week = jax.random.normal(k6, (7, 3), dtype=jnp.float32)
    W_time = jax.random.normal(k7, (1440, 8), dtype=jnp.float32)
    return {"driverID": driverID, "weekID": weekID, "timeID": timeID, "dist": dist,
            "W_driver": W_driver, "W_week": W_week, "W_time": W_time}


def reference(driverID, weekID, timeID, dist, W_driver, W_week, W_time):
    # Each attr index is viewed as (-1, 1), embedded, then squeezed -> (N, dim)
    em_driver = jnp.take(W_driver, driverID, axis=0)  # (N, 16)
    em_week = jnp.take(W_week, weekID, axis=0)        # (N, 3)
    em_time = jnp.take(W_time, timeID, axis=0)        # (N, 8)
    dist_col = dist.reshape(-1, 1)                     # (N, 1)
    return jnp.concatenate([em_driver, em_week, em_time, dist_col], axis=1)  # (N, 28)

if __name__ == "__main__":
    import jax
    _d = setup_inputs()
    print(jax.jit(kernel)(*tuple(_d.values())))

</pallas_src>

<mosaic_0001>
#map = affine_map<(d0, d1) -> (0)>
module attributes {stable_mosaic.version = 14 : i64} {
  func.func @_body(%arg0: i32, %arg1: i32, %arg2: memref<16384xi32, #tpu.memory_space<hbm>>, %arg3: memref<16384xi32, #tpu.memory_space<hbm>>, %arg4: memref<16384xi32, #tpu.memory_space<hbm>>, %arg5: memref<16384xf32, #tpu.memory_space<hbm>>, %arg6: memref<384000xf32, #tpu.memory_space<hbm>>, %arg7: memref<24xf32, #tpu.memory_space<hbm>>, %arg8: memref<11520xf32, #tpu.memory_space<hbm>>, %arg9: memref<458752xf32, #tpu.memory_space<hbm>>, %arg10: memref<8192xi32, #tpu.memory_space<vmem>>, %arg11: memref<24000xf32, #tpu.memory_space<vmem>>, %arg12: memref<8192xf32, #tpu.memory_space<vmem>>, %arg13: memref<8192xi32, #tpu.memory_space<vmem>>, %arg14: memref<1440xf32, #tpu.memory_space<vmem>>, %arg15: memref<8192xf32, #tpu.memory_space<vmem>>, %arg16: memref<!tpu.dma_semaphore, #tpu.memory_space<semaphore_mem>>, %arg17: memref<!tpu.dma_semaphore, #tpu.memory_space<semaphore_mem>>, %arg18: memref<!tpu.dma_semaphore, #tpu.memory_space<semaphore_mem>>) attributes {dimension_semantics = [#tpu.dimension_semantics<core_parallel>, #tpu.dimension_semantics<subcore_parallel>], iteration_bounds = array<i64: 2, 16>, scalar_prefetch = 0 : i64, scratch_operands = 9 : i64, tpu.core_type = #tpu.core_type<sc_vector_subcore>, window_params = [{transform_indices = #map}, {transform_indices = #map}, {transform_indices = #map}, {transform_indices = #map}, {transform_indices = #map}, {transform_indices = #map}, {transform_indices = #map}, {transform_indices = #map}]} {
    %mul3A = arith.constant 2 : i32
    %mul3A_0 = arith.muli %arg1, %mul3A : i32
    %add3A = arith.addi %mul3A_0, %arg0 : i32
    %jit3A = arith.constant 2 : i32
    %div3A = arith.divsi %add3A, %jit3A : i32
    %sign3A = arith.constant 0 : i32
    %sign3A_1 = arith.cmpi sgt, %add3A, %sign3A : i32
    %sign3A_2 = arith.extui %sign3A_1 : i1 to i32
    %sign3A_3 = arith.constant 0 : i32
    %sign3A_4 = arith.cmpi slt, %add3A, %sign3A_3 : i32
    %sign3A_5 = arith.extui %sign3A_4 : i1 to i32
    %sign3A_6 = arith.subi %sign3A_2, %sign3A_5 : i32
    %sign3A_7 = arith.constant 0 : i32
    %sign3A_8 = arith.cmpi sgt, %jit3A, %sign3A_7 : i32
    %sign3A_9 = arith.extui %sign3A_8 : i1 to i32
    %sign3A_10 = arith.constant 0 : i32
    %sign3A_11 = arith.cmpi slt, %jit3A, %sign3A_10 : i32
    %sign3A_12 = arith.extui %sign3A_11 : i1 to i32
    %sign3A_13 = arith.subi %sign3A_9, %sign3A_12 : i32
    %ne3A = arith.cmpi ne, %sign3A_6, %sign3A_13 : i32
    %rem3A = arith.remsi %add3A, %jit3A : i32
    %ne3A_14 = arith.constant 0 : i32
    %ne3A_15 = arith.cmpi ne, %rem3A, %ne3A_14 : i32
    %and3A = arith.andi %ne3A, %ne3A_15 : i1
    %sub3A = arith.constant 1 : i32
    %sub3A_16 = arith.subi %div3A, %sub3A : i32
    %select_n3A = arith.select %and3A, %sub3A_16, %div3A : i32
    %jit3A_17 = arith.constant 2 : i32
    %eq3A = arith.constant 0 : i32
    %eq3A_18 = arith.cmpi eq, %jit3A_17, %eq3A : i32
    %jit3A_19 = arith.constant 1 : i32
    %select_n3A_20 = arith.select %eq3A_18, %jit3A_19, %jit3A_17 : i32
    %rem3A_21 = arith.remsi %add3A, %select_n3A_20 : i32
    %ne3A_22 = arith.constant 0 : i32
    %ne3A_23 = arith.cmpi ne, %rem3A_21, %ne3A_22 : i32
    %lt3A = arith.constant 0 : i32
    %lt3A_24 = arith.cmpi slt, %rem3A_21, %lt3A : i32
    %lt3A_25 = arith.constant 0 : i32
    %lt3A_26 = arith.cmpi slt, %select_n3A_20, %lt3A_25 : i32
    %ne3A_27 = arith.xori %lt3A_24, %lt3A_26 : i1
    %and3A_28 = arith.andi %ne3A_27, %ne3A_23 : i1
    %add3A_29 = arith.addi %rem3A_21, %select_n3A_20 : i32
    %select_n3A_30 = arith.select %and3A_28, %add3A_29, %rem3A_21 : i32
    %mul3A_31 = arith.constant 8192 : i32
    %mul3A_32 = arith.muli %select_n3A_30, %mul3A_31 : i32
    %mul3A_33 = arith.constant 24000 : i32
    %mul3A_34 = arith.muli %select_n3A, %mul3A_33 : i32
    %dma_start3A = tpu.memref_slice %arg6[%mul3A_34] : memref<384000xf32, #tpu.memory_space<hbm>> -> memref<24000xf32, #tpu.memory_space<hbm>>
    %dma_start3A_35 = tpu.memref_slice %arg6[%mul3A_34] : memref<384000xf32, #tpu.memory_space<hbm>> -> memref<24000xf32, #tpu.memory_space<hbm>>
    tpu.enqueue_dma source(%dma_start3A_35 : memref<24000xf32, #tpu.memory_space<hbm>>) target(%arg11 : memref<24000xf32, #tpu.memory_space<vmem>>) target_semaphore(%arg16 : memref<!tpu.dma_semaphore, #tpu.memory_space<semaphore_mem>>)
    %dma_start3A_36 = tpu.memref_slice %arg2[%mul3A_32] : memref<16384xi32, #tpu.memory_space<hbm>> -> memref<8192xi32, #tpu.memory_space<hbm>>
    %dma_start3A_37 = tpu.memref_slice %arg2[%mul3A_32] : memref<16384xi32, #tpu.memory_space<hbm>> -> memref<8192xi32, #tpu.memory_space<hbm>>
    tpu.enqueue_dma source(%dma_start3A_37 : memref<8192xi32, #tpu.memory_space<hbm>>) target(%arg10 : memref<8192xi32, #tpu.memory_space<vmem>>) target_semaphore(%arg16 : memref<!tpu.dma_semaphore, #tpu.memory_space<semaphore_mem>>)
    %lt3A_38 = arith.constant 16 : i32
    %lt3A_39 = arith.cmpi slt, %add3A, %lt3A_38 : i32
    %convert_element_type3A = arith.extui %lt3A_39 : i1 to i32
    %cond3A = arith.constant 0 : i32
    %cond3A_40 = arith.cmpi ne, %convert_element_type3A, %cond3A : i32
    scf.if %cond3A_40 {
      %jit3A_99 = arith.constant 2 : i32
      %div3A_100 = arith.divsi %add3A, %jit3A_99 : i32
      %sign3A_101 = arith.constant 0 : i32
      %sign3A_102 = arith.cmpi sgt, %add3A, %sign3A_101 : i32
      %sign3A_103 = arith.extui %sign3A_102 : i1 to i32
      %sign3A_104 = arith.constant 0 : i32
      %sign3A_105 = arith.cmpi slt, %add3A, %sign3A_104 : i32
      %sign3A_106 = arith.extui %sign3A_105 : i1 to i32
      %sign3A_107 = arith.subi %sign3A_103, %sign3A_106 : i32
      %sign3A_108 = arith.constant 0 : i32
      %sign3A_109 = arith.cmpi sgt, %jit3A_99, %sign3A_108 : i32
      %sign3A_110 = arith.extui %sign3A_109 : i1 to i32
      %sign3A_111 = arith.constant 0 : i32
      %sign3A_112 = arith.cmpi slt, %jit3A_99, %sign3A_111 : i32
      %sign3A_113 = arith.extui %sign3A_112 : i1 to i32
      %sign3A_114 = arith.subi %sign3A_110, %sign3A_113 : i32
      %ne3A_115 = arith.cmpi ne, %sign3A_107, %sign3A_114 : i32
      %rem3A_116 = arith.remsi %add3A, %jit3A_99 : i32
      %ne3A_117 = arith.constant 0 : i32
      %ne3A_118 = arith.cmpi ne, %rem3A_116, %ne3A_117 : i32
      %and3A_119 = arith.andi %ne3A_115, %ne3A_118 : i1
      %sub3A_120 = arith.constant 1 : i32
      %sub3A_121 = arith.subi %div3A_100, %sub3A_120 : i32
      %select_n3A_122 = arith.select %and3A_119, %sub3A_121, %div3A_100 : i32
      %mul3A_123 = arith.constant 1440 : i32
      %mul3A_124 = arith.muli %select_n3A_122, %mul3A_123 : i32
      %dma_start3A_125 = arith.constant 0 : i32
      %dma_start3A_126 = tpu.memref_slice %arg14[%dma_start3A_125] : memref<1440xf32, #tpu.memory_space<vmem>> -> memref<1440xf32, #tpu.memory_space<vmem>>
      %dma_start3A_127 = tpu.memref_slice %arg8[%mul3A_124] : memref<11520xf32, #tpu.memory_space<hbm>> -> memref<1440xf32, #tpu.memory_space<hbm>>
      %dma_start3A_128 = arith.constant 0 : i32
      %dma_start3A_129 = tpu.memref_slice %arg14[%dma_start3A_128] : memref<1440xf32, #tpu.memory_space<vmem>> -> memref<1440xf32, #tpu.memory_space<vmem>>
      %dma_start3A_130 = tpu.memref_slice %arg8[%mul3A_124] : memref<11520xf32, #tpu.memory_space<hbm>> -> memref<1440xf32, #tpu.memory_space<hbm>>
      tpu.enqueue_dma source(%dma_start3A_130 : memref<1440xf32, #tpu.memory_space<hbm>>) target(%dma_start3A_129 : memref<1440xf32, #tpu.memory_space<vmem>>) target_semaphore(%arg17 : memref<!tpu.dma_semaphore, #tpu.memory_space<semaphore_mem>>)
      %dma_start3A_131 = tpu.memref_slice %arg4[%mul3A_32] : memref<16384xi32, #tpu.memory_space<hbm>> -> memref<8192xi32, #tpu.memory_space<hbm>>
      %dma_start3A_132 = tpu.memref_slice %arg4[%mul3A_32] : memref<16384xi32, #tpu.memory_space<hbm>> -> memref<8192xi32, #tpu.memory_space<hbm>>
      tpu.enqueue_dma source(%dma_start3A_132 : memref<8192xi32, #tpu.memory_space<hbm>>) target(%arg13 : memref<8192xi32, #tpu.memory_space<vmem>>) target_semaphore(%arg17 : memref<!tpu.dma_semaphore, #tpu.memory_space<semaphore_mem>>)
    } else {
    }
    %ge3A = arith.constant 16 : i32
    %ge3A_41 = arith.cmpi sge, %add3A, %ge3A : i32
    %lt3A_42 = arith.constant 22 : i32
    %lt3A_43 = arith.cmpi slt, %add3A, %lt3A_42 : i32
    %and3A_44 = arith.andi %ge3A_41, %lt3A_43 : i1
    %convert_element_type3A_45 = arith.extui %and3A_44 : i1 to i32
    %cond3A_46 = arith.constant 0 : i32
    %cond3A_47 = arith.cmpi ne, %convert_element_type3A_45, %cond3A_46 : i32
    scf.if %cond3A_47 {
      %sub3A_99 = arith.constant 16 : i32
      %sub3A_100 = arith.subi %add3A, %sub3A_99 : i32
      %jit3A_101 = arith.constant 2 : i32
      %div3A_102 = arith.divsi %sub3A_100, %jit3A_101 : i32
      %sign3A_103 = arith.constant 0 : i32
      %sign3A_104 = arith.cmpi sgt, %sub3A_100, %sign3A_103 : i32
      %sign3A_105 = arith.extui %sign3A_104 : i1 to i32
      %sign3A_106 = arith.constant 0 : i32
      %sign3A_107 = arith.cmpi slt, %sub3A_100, %sign3A_106 : i32
      %sign3A_108 = arith.extui %sign3A_107 : i1 to i32
      %sign3A_109 = arith.subi %sign3A_105, %sign3A_108 : i32
      %sign3A_110 = arith.constant 0 : i32
      %sign3A_111 = arith.cmpi sgt, %jit3A_101, %sign3A_110 : i32
      %sign3A_112 = arith.extui %sign3A_111 : i1 to i32
      %sign3A_113 = arith.constant 0 : i32
      %sign3A_114 = arith.cmpi slt, %jit3A_101, %sign3A_113 : i32
      %sign3A_115 = arith.extui %sign3A_114 : i1 to i32
      %sign3A_116 = arith.subi %sign3A_112, %sign3A_115 : i32
      %ne3A_117 = arith.cmpi ne, %sign3A_109, %sign3A_116 : i32
      %rem3A_118 = arith.remsi %sub3A_100, %jit3A_101 : i32
      %ne3A_119 = arith.constant 0 : i32
      %ne3A_120 = arith.cmpi ne, %rem3A_118, %ne3A_119 : i32
      %and3A_121 = arith.andi %ne3A_117, %ne3A_120 : i1
      %sub3A_122 = arith.constant 1 : i32
      %sub3A_123 = arith.subi %div3A_102, %sub3A_122 : i32
      %select_n3A_124 = arith.select %and3A_121, %sub3A_123, %div3A_102 : i32
      %mul3A_125 = arith.constant 8 : i32
      %mul3A_126 = arith.muli %select_n3A_124, %mul3A_125 : i32
      %dma_start3A_127 = arith.constant 0 : i32
      %dma_start3A_128 = tpu.memref_slice %arg14[%dma_start3A_127] : memref<1440xf32, #tpu.memory_space<vmem>> -> memref<7xf32, #tpu.memory_space<vmem>>
      %dma_start3A_129 = tpu.memref_slice %arg7[%mul3A_126] : memref<24xf32, #tpu.memory_space<hbm>> -> memref<7xf32, #tpu.memory_space<hbm>>
      %dma_start3A_130 = arith.constant 0 : i32
      %dma_start3A_131 = tpu.memref_slice %arg14[%dma_start3A_130] : memref<1440xf32, #tpu.memory_space<vmem>> -> memref<7xf32, #tpu.memory_space<vmem>>
      %dma_start3A_132 = tpu.memref_slice %arg7[%mul3A_126] : memref<24xf32, #tpu.memory_space<hbm>> -> memref<7xf32, #tpu.memory_space<hbm>>
      tpu.enqueue_dma source(%dma_start3A_132 : memref<7xf32, #tpu.memory_space<hbm>>) target(%dma_start3A_131 : memref<7xf32, #tpu.memory_space<vmem>>) target_semaphore(%arg17 : memref<!tpu.dma_semaphore, #tpu.memory_space<semaphore_mem>>)
      %jit3A_133 = arith.constant 2 : i32
      %eq3A_134 = arith.constant 0 : i32
      %eq3A_135 = arith.cmpi eq, %jit3A_133, %eq3A_134 : i32
      %jit3A_136 = arith.constant 1 : i32
      %select_n3A_137 = arith.select %eq3A_135, %jit3A_136, %jit3A_133 : i32
      %rem3A_138 = arith.remsi %sub3A_100, %select_n3A_137 : i32
      %ne3A_139 = arith.constant 0 : i32
      %ne3A_140 = arith.cmpi ne, %rem3A_138, %ne3A_139 : i32
      %lt3A_141 = arith.constant 0 : i32
      %lt3A_142 = arith.cmpi slt, %rem3A_138, %lt3A_141 : i32
      %lt3A_143 = arith.constant 0 : i32
      %lt3A_144 = arith.cmpi slt, %select_n3A_137, %lt3A_143 : i32
      %ne3A_145 = arith.xori %lt3A_142, %lt3A_144 : i1
      %and3A_146 = arith.andi %ne3A_145, %ne3A_140 : i1
      %add3A_147 = arith.addi %rem3A_138, %select_n3A_137 : i32
      %select_n3A_148 = arith.select %and3A_146, %add3A_147, %rem3A_138 : i32
      %mul3A_149 = arith.constant 8192 : i32
      %mul3A_150 = arith.muli %select_n3A_148, %mul3A_149 : i32
      %dma_start3A_151 = tpu.memref_slice %arg3[%mul3A_150] : memref<16384xi32, #tpu.memory_space<hbm>> -> memref<8192xi32, #tpu.memory_space<hbm>>
      %dma_start3A_152 = tpu.memref_slice %arg3[%mul3A_150] : memref<16384xi32, #tpu.memory_space<hbm>> -> memref<8192xi32, #tpu.memory_space<hbm>>
      tpu.enqueue_dma source(%dma_start3A_152 : memref<8192xi32, #tpu.memory_space<hbm>>) target(%arg13 : memref<8192xi32, #tpu.memory_space<vmem>>) target_semaphore(%arg17 : memref<!tpu.dma_semaphore, #tpu.memory_space<semaphore_mem>>)
    } else {
    }
    %ge3A_48 = arith.constant 22 : i32
    %ge3A_49 = arith.cmpi sge, %add3A, %ge3A_48 : i32
    %lt3A_50 = arith.constant 24 : i32
    %lt3A_51 = arith.cmpi slt, %add3A, %lt3A_50 : i32
    %and3A_52 = arith.andi %ge3A_49, %lt3A_51 : i1
    %convert_element_type3A_53 = arith.extui %and3A_52 : i1 to i32
    %cond3A_54 = arith.constant 0 : i32
    %cond3A_55 = arith.cmpi ne, %convert_element_type3A_53, %cond3A_54 : i32
    scf.if %cond3A_55 {
      %sub3A_99 = arith.constant 22 : i32
      %sub3A_100 = arith.subi %add3A, %sub3A_99 : i32
      %mul3A_101 = arith.constant 8192 : i32
      %mul3A_102 = arith.muli %sub3A_100, %mul3A_101 : i32
      %dma_start3A_103 = tpu.memref_slice %arg5[%mul3A_102] : memref<16384xf32, #tpu.memory_space<hbm>> -> memref<8192xf32, #tpu.memory_space<hbm>>
      %dma_start3A_104 = tpu.memref_slice %arg5[%mul3A_102] : memref<16384xf32, #tpu.memory_space<hbm>> -> memref<8192xf32, #tpu.memory_space<hbm>>
      tpu.enqueue_dma source(%dma_start3A_104 : memref<8192xf32, #tpu.memory_space<hbm>>) target(%arg15 : memref<8192xf32, #tpu.memory_space<vmem>>) target_semaphore(%arg17 : memref<!tpu.dma_semaphore, #tpu.memory_space<semaphore_mem>>)
    } else {
    }
    %lt3A_56 = arith.constant 16 : i32
    %lt3A_57 = arith.cmpi slt, %add3A, %lt3A_56 : i32
    %convert_element_type3A_58 = arith.extui %lt3A_57 : i1 to i32
    %cond3A_59 = arith.constant 0 : i32
    %cond3A_60 = arith.cmpi ne, %convert_element_type3A_58, %cond3A_59 : i32
    scf.if %cond3A_60 {
      %jit3A_99 = arith.constant 2 : i32
      %div3A_100 = arith.divsi %add3A, %jit3A_99 : i32
      %sign3A_101 = arith.constant 0 : i32
      %sign3A_102 = arith.cmpi sgt, %add3A, %sign3A_101 : i32
      %sign3A_103 = arith.extui %sign3A_102 : i1 to i32
      %sign3A_104 = arith.constant 0 : i32
      %sign3A_105 = arith.cmpi slt, %add3A, %sign3A_104 : i32
      %sign3A_106 = arith.extui %sign3A_105 : i1 to i32
      %sign3A_107 = arith.subi %sign3A_103, %sign3A_106 : i32
      %sign3A_108 = arith.constant 0 : i32
      %sign3A_109 = arith.cmpi sgt, %jit3A_99, %sign3A_108 : i32
      %sign3A_110 = arith.extui %sign3A_109 : i1 to i32
      %sign3A_111 = arith.constant 0 : i32
      %sign3A_112 = arith.cmpi slt, %jit3A_99, %sign3A_111 : i32
      %sign3A_113 = arith.extui %sign3A_112 : i1 to i32
      %sign3A_114 = arith.subi %sign3A_110, %sign3A_113 : i32
      %ne3A_115 = arith.cmpi ne, %sign3A_107, %sign3A_114 : i32
      %rem3A_116 = arith.remsi %add3A, %jit3A_99 : i32
      %ne3A_117 = arith.constant 0 : i32
      %ne3A_118 = arith.cmpi ne, %rem3A_116, %ne3A_117 : i32
      %and3A_119 = arith.andi %ne3A_115, %ne3A_118 : i1
      %sub3A_120 = arith.constant 1 : i32
      %sub3A_121 = arith.subi %div3A_100, %sub3A_120 : i32
      %select_n3A_122 = arith.select %and3A_119, %sub3A_121, %div3A_100 : i32
      %mul3A_123 = arith.constant 1440 : i32
      %mul3A_124 = arith.muli %select_n3A_122, %mul3A_123 : i32
      %dma_wait3A_125 = arith.constant 0 : i32
      %dma_wait3A_126 = tpu.memref_slice %arg14[%dma_wait3A_125] : memref<1440xf32, #tpu.memory_space<vmem>> -> memref<1440xf32, #tpu.memory_space<vmem>>
      %dma_wait3A_127 = tpu.memref_slice %arg8[%mul3A_124] : memref<11520xf32, #tpu.memory_space<hbm>> -> memref<1440xf32, #tpu.memory_space<hbm>>
      %dma_wait3A_128 = arith.constant 0 : i32
      %dma_wait3A_129 = tpu.memref_slice %arg14[%dma_wait3A_128] : memref<1440xf32, #tpu.memory_space<vmem>> -> memref<1440xf32, #tpu.memory_space<vmem>>
      %dma_wait3A_130 = tpu.memref_slice %arg8[%mul3A_124] : memref<11520xf32, #tpu.memory_space<hbm>> -> memref<1440xf32, #tpu.memory_space<hbm>>
      tpu.wait_dma2 semaphore(%arg17 : memref<!tpu.dma_semaphore, #tpu.memory_space<semaphore_mem>>) src(%dma_wait3A_130 : memref<1440xf32, #tpu.memory_space<hbm>>) dst(%dma_wait3A_129 : memref<1440xf32, #tpu.memory_space<vmem>>)
      %dma_wait3A_131 = tpu.memref_slice %arg4[%mul3A_32] : memref<16384xi32, #tpu.memory_space<hbm>> -> memref<8192xi32, #tpu.memory_space<hbm>>
      %dma_wait3A_132 = tpu.memref_slice %arg4[%mul3A_32] : memref<16384xi32, #tpu.memory_space<hbm>> -> memref<8192xi32, #tpu.memory_space<hbm>>
      tpu.wait_dma2 semaphore(%arg17 : memref<!tpu.dma_semaphore, #tpu.memory_space<semaphore_mem>>) src(%dma_wait3A_132 : memref<8192xi32, #tpu.memory_space<hbm>>) dst(%arg13 : memref<8192xi32, #tpu.memory_space<vmem>>)
      %parallel_loop3A_133 = arith.constant 0 : i32
      %parallel_loop3A_134 = arith.constant 512 : i32
      %parallel_loop3A_135 = arith.constant 1 : i32
      scf.for %parallel_loop3A_167 = %parallel_loop3A_133 to %parallel_loop3A_134 step %parallel_loop3A_135  : i32 {
        %parallel_loop3A_168 = arith.constant 16 : i32
        %parallel_loop3A_169 = arith.muli %parallel_loop3A_167, %parallel_loop3A_168 : i32
        %parallel_loop3A_170 = arith.index_cast %parallel_loop3A_169 : i32 to index
        %parallel_loop3A_171 = tpu.vector_load %arg13[%parallel_loop3A_170] {strides = array<i32>} : memref<8192xi32, #tpu.memory_space<vmem>>, vector<16xi32>,
        %parallel_loop3A_172 = tpu.vector_load_idx %arg14[%parallel_loop3A_171] : memref<1440xf32, #tpu.memory_space<vmem>>[vector<16xi32>], vector<16xf32>,
        %parallel_loop3A_173 = arith.index_cast %parallel_loop3A_169 : i32 to index
        %parallel_loop3A_174 = tpu.vector_load %arg15[%parallel_loop3A_173] {strides = array<i32>} : memref<8192xf32, #tpu.memory_space<vmem>>, vector<16xf32>,
        tpu.vector_store %arg15[%parallel_loop3A_173], %parallel_loop3A_172 {strides = array<i32>} : memref<8192xf32, #tpu.memory_space<vmem>>, vector<16xf32>,
      } {sc.loop_unroll_factor = 8 : i64, sc.parallel_access}
      %jit3A_136 = arith.constant 2 : i32
      %div3A_137 = arith.divsi %add3A, %jit3A_136 : i32
      %sign3A_138 = arith.constant 0 : i32
      %sign3A_139 = arith.cmpi sgt, %add3A, %sign3A_138 : i32
      %sign3A_140 = arith.extui %sign3A_139 : i1 to i32
      %sign3A_141 = arith.constant 0 : i32
      %sign3A_142 = arith.cmpi slt, %add3A, %sign3A_141 : i32
      %sign3A_143 = arith.extui %sign3A_142 : i1 to i32
      %sign3A_144 = arith.subi %sign3A_140, %sign3A_143 : i32
      %sign3A_145 = arith.constant 0 : i32
      %sign3A_146 = arith.cmpi sgt, %jit3A_136, %sign3A_145 : i32
      %sign3A_147 = arith.extui %sign3A_146 : i1 to i32
      %sign3A_148 = arith.constant 0 : i32
      %sign3A_149 = arith.cmpi slt, %jit3A_136, %sign3A_148 : i32
      %sign3A_150 = arith.extui %sign3A_149 : i1 to i32
      %sign3A_151 = arith.subi %sign3A_147, %sign3A_150 : i32
      %ne3A_152 = arith.cmpi ne, %sign3A_144, %sign3A_151 : i32
      %rem3A_153 = arith.remsi %add3A, %jit3A_136 : i32
      %ne3A_154 = arith.constant 0 : i32
      %ne3A_155 = arith.cmpi ne, %rem3A_153, %ne3A_154 : i32
      %and3A_156 = arith.andi %ne3A_152, %ne3A_155 : i1
      %sub3A_157 = arith.constant 1 : i32
      %sub3A_158 = arith.subi %div3A_137, %sub3A_157 : i32
      %select_n3A_159 = arith.select %and3A_156, %sub3A_158, %div3A_137 : i32
      %add3A_160 = arith.constant 19 : i32
      %add3A_161 = arith.addi %add3A_160, %select_n3A_159 : i32
      %mul3A_162 = arith.constant 16384 : i32
      %mul3A_163 = arith.muli %add3A_161, %mul3A_162 : i32
      %add3A_164 = arith.addi %mul3A_163, %mul3A_32 : i32
      %dma_start3A_165 = tpu.memref_slice %arg9[%add3A_164] : memref<458752xf32, #tpu.memory_space<hbm>> -> memref<8192xf32, #tpu.memory_space<hbm>>
      %dma_start3A_166 = tpu.memref_slice %arg9[%add3A_164] : memref<458752xf32, #tpu.memory_space<hbm>> -> memref<8192xf32, #tpu.memory_space<hbm>>
      tpu.enqueue_dma source(%arg15 : memref<8192xf32, #tpu.memory_space<vmem>>) target(%dma_start3A_166 : memref<8192xf32, #tpu.memory_space<hbm>>) target_semaphore(%arg18 : memref<!tpu.dma_semaphore, #tpu.memory_space<semaphore_mem>>)
    } else {
    }
    %ge3A_61 = arith.constant 16 : i32
    %ge3A_62 = arith.cmpi sge, %add3A, %ge3A_61 : i32
    %lt3A_63 = arith.constant 22 : i32
    %lt3A_64 = arith.cmpi slt, %add3A, %lt3A_63 : i32
    %and3A_65 = arith.andi %ge3A_62, %lt3A_64 : i1
    %convert_element_type3A_66 = arith.extui %and3A_65 : i1 to i32
    %cond3A_67 = arith.constant 0 : i32
    %cond3A_68 = arith.cmpi ne, %convert_element_type3A_66, %cond3A_67 : i32
    scf.if %cond3A_68 {
      %sub3A_99 = arith.constant 16 : i32
      %sub3A_100 = arith.subi %add3A, %sub3A_99 : i32
      %jit3A_101 = arith.constant 2 : i32
      %div3A_102 = arith.divsi %sub3A_100, %jit3A_101 : i32
      %sign3A_103 = arith.constant 0 : i32
      %sign3A_104 = arith.cmpi sgt, %sub3A_100, %sign3A_103 : i32
      %sign3A_105 = arith.extui %sign3A_104 : i1 to i32
      %sign3A_106 = arith.constant 0 : i32
      %sign3A_107 = arith.cmpi slt, %sub3A_100, %sign3A_106 : i32
      %sign3A_108 = arith.extui %sign3A_107 : i1 to i32
      %sign3A_109 = arith.subi %sign3A_105, %sign3A_108 : i32
      %sign3A_110 = arith.constant 0 : i32
      %sign3A_111 = arith.cmpi sgt, %jit3A_101, %sign3A_110 : i32
      %sign3A_112 = arith.extui %sign3A_111 : i1 to i32
      %sign3A_113 = arith.constant 0 : i32
      %sign3A_114 = arith.cmpi slt, %jit3A_101, %sign3A_113 : i32
      %sign3A_115 = arith.extui %sign3A_114 : i1 to i32
      %sign3A_116 = arith.subi %sign3A_112, %sign3A_115 : i32
      %ne3A_117 = arith.cmpi ne, %sign3A_109, %sign3A_116 : i32
      %rem3A_118 = arith.remsi %sub3A_100, %jit3A_101 : i32
      %ne3A_119 = arith.constant 0 : i32
      %ne3A_120 = arith.cmpi ne, %rem3A_118, %ne3A_119 : i32
      %and3A_121 = arith.andi %ne3A_117, %ne3A_120 : i1
      %sub3A_122 = arith.constant 1 : i32
      %sub3A_123 = arith.subi %div3A_102, %sub3A_122 : i32
      %select_n3A_124 = arith.select %and3A_121, %sub3A_123, %div3A_102 : i32
      %mul3A_125 = arith.constant 8 : i32
      %mul3A_126 = arith.muli %select_n3A_124, %mul3A_125 : i32
      %dma_wait3A_127 = arith.constant 0 : i32
      %dma_wait3A_128 = tpu.memref_slice %arg14[%dma_wait3A_127] : memref<1440xf32, #tpu.memory_space<vmem>> -> memref<7xf32, #tpu.memory_space<vmem>>
      %dma_wait3A_129 = tpu.memref_slice %arg7[%mul3A_126] : memref<24xf32, #tpu.memory_space<hbm>> -> memref<7xf32, #tpu.memory_space<hbm>>
      %dma_wait3A_130 = arith.constant 0 : i32
      %dma_wait3A_131 = tpu.memref_slice %arg14[%dma_wait3A_130] : memref<1440xf32, #tpu.memory_space<vmem>> -> memref<7xf32, #tpu.memory_space<vmem>>
      %dma_wait3A_132 = tpu.memref_slice %arg7[%mul3A_126] : memref<24xf32, #tpu.memory_space<hbm>> -> memref<7xf32, #tpu.memory_space<hbm>>
      tpu.wait_dma2 semaphore(%arg17 : memref<!tpu.dma_semaphore, #tpu.memory_space<semaphore_mem>>) src(%dma_wait3A_132 : memref<7xf32, #tpu.memory_space<hbm>>) dst(%dma_wait3A_131 : memref<7xf32, #tpu.memory_space<vmem>>)
      %jit3A_133 = arith.constant 2 : i32
      %eq3A_134 = arith.constant 0 : i32
      %eq3A_135 = arith.cmpi eq, %jit3A_133, %eq3A_134 : i32
      %jit3A_136 = arith.constant 1 : i32
      %select_n3A_137 = arith.select %eq3A_135, %jit3A_136, %jit3A_133 : i32
      %rem3A_138 = arith.remsi %sub3A_100, %select_n3A_137 : i32
      %ne3A_139 = arith.constant 0 : i32
      %ne3A_140 = arith.cmpi ne, %rem3A_138, %ne3A_139 : i32
      %lt3A_141 = arith.constant 0 : i32
      %lt3A_142 = arith.cmpi slt, %rem3A_138, %lt3A_141 : i32
      %lt3A_143 = arith.constant 0 : i32
      %lt3A_144 = arith.cmpi slt, %select_n3A_137, %lt3A_143 : i32
      %ne3A_145 = arith.xori %lt3A_142, %lt3A_144 : i1
      %and3A_146 = arith.andi %ne3A_145, %ne3A_140 : i1
      %add3A_147 = arith.addi %rem3A_138, %select_n3A_137 : i32
      %select_n3A_148 = arith.select %and3A_146, %add3A_147, %rem3A_138 : i32
      %mul3A_149 = arith.constant 8192 : i32
      %mul3A_150 = arith.muli %select_n3A_148, %mul3A_149 : i32
      %dma_wait3A_151 = tpu.memref_slice %arg3[%mul3A_150] : memref<16384xi32, #tpu.memory_space<hbm>> -> memref<8192xi32, #tpu.memory_space<hbm>>
      %dma_wait3A_152 = tpu.memref_slice %arg3[%mul3A_150] : memref<16384xi32, #tpu.memory_space<hbm>> -> memref<8192xi32, #tpu.memory_space<hbm>>
      tpu.wait_dma2 semaphore(%arg17 : memref<!tpu.dma_semaphore, #tpu.memory_space<semaphore_mem>>) src(%dma_wait3A_152 : memref<8192xi32, #tpu.memory_space<hbm>>) dst(%arg13 : memref<8192xi32, #tpu.memory_space<vmem>>)
      %parallel_loop3A_153 = arith.constant 0 : i32
      %parallel_loop3A_154 = arith.constant 512 : i32
      %parallel_loop3A_155 = arith.constant 1 : i32
      scf.for %parallel_loop3A_205 = %parallel_loop3A_153 to %parallel_loop3A_154 step %parallel_loop3A_155  : i32 {
        %parallel_loop3A_206 = arith.constant 16 : i32
        %parallel_loop3A_207 = arith.muli %parallel_loop3A_205, %parallel_loop3A_206 : i32
        %parallel_loop3A_208 = arith.index_cast %parallel_loop3A_207 : i32 to index
        %parallel_loop3A_209 = tpu.vector_load %arg13[%parallel_loop3A_208] {strides = array<i32>} : memref<8192xi32, #tpu.memory_space<vmem>>, vector<16xi32>,
        %parallel_loop3A_210 = tpu.vector_load_idx %arg14[%parallel_loop3A_209] : memref<1440xf32, #tpu.memory_space<vmem>>[vector<16xi32>], vector<16xf32>,
        %parallel_loop3A_211 = arith.index_cast %parallel_loop3A_207 : i32 to index
        %parallel_loop3A_212 = tpu.vector_load %arg15[%parallel_loop3A_211] {strides = array<i32>} : memref<8192xf32, #tpu.memory_space<vmem>>, vector<16xf32>,
        tpu.vector_store %arg15[%parallel_loop3A_211], %parallel_loop3A_210 {strides = array<i32>} : memref<8192xf32, #tpu.memory_space<vmem>>, vector<16xf32>,
      } {sc.loop_unroll_factor = 8 : i64, sc.parallel_access}
      %jit3A_156 = arith.constant 2 : i32
      %div3A_157 = arith.divsi %sub3A_100, %jit3A_156 : i32
      %sign3A_158 = arith.constant 0 : i32
      %sign3A_159 = arith.cmpi sgt, %sub3A_100, %sign3A_158 : i32
      %sign3A_160 = arith.extui %sign3A_159 : i1 to i32
      %sign3A_161 = arith.constant 0 : i32
      %sign3A_162 = arith.cmpi slt, %sub3A_100, %sign3A_161 : i32
      %sign3A_163 = arith.extui %sign3A_162 : i1 to i32
      %sign3A_164 = arith.subi %sign3A_160, %sign3A_163 : i32
      %sign3A_165 = arith.constant 0 : i32
      %sign3A_166 = arith.cmpi sgt, %jit3A_156, %sign3A_165 : i32
      %sign3A_167 = arith.extui %sign3A_166 : i1 to i32
      %sign3A_168 = arith.constant 0 : i32
      %sign3A_169 = arith.cmpi slt, %jit3A_156, %sign3A_168 : i32
      %sign3A_170 = arith.extui %sign3A_169 : i1 to i32
      %sign3A_171 = arith.subi %sign3A_167, %sign3A_170 : i32
      %ne3A_172 = arith.cmpi ne, %sign3A_164, %sign3A_171 : i32
      %rem3A_173 = arith.remsi %sub3A_100, %jit3A_156 : i32
      %ne3A_174 = arith.constant 0 : i32
      %ne3A_175 = arith.cmpi ne, %rem3A_173, %ne3A_174 : i32
      %and3A_176 = arith.andi %ne3A_172, %ne3A_175 : i1
      %sub3A_177 = arith.constant 1 : i32
      %sub3A_178 = arith.subi %div3A_157, %sub3A_177 : i32
      %select_n3A_179 = arith.select %and3A_176, %sub3A_178, %div3A_157 : i32
      %add3A_180 = arith.constant 16 : i32
      %add3A_181 = arith.addi %add3A_180, %select_n3A_179 : i32
      %mul3A_182 = arith.constant 16384 : i32
      %mul3A_183 = arith.muli %add3A_181, %mul3A_182 : i32
      %jit3A_184 = arith.constant 2 : i32
      %eq3A_185 = arith.constant 0 : i32
      %eq3A_186 = arith.cmpi eq, %jit3A_184, %eq3A_185 : i32
      %jit3A_187 = arith.constant 1 : i32
      %select_n3A_188 = arith.select %eq3A_186, %jit3A_187, %jit3A_184 : i32
      %rem3A_189 = arith.remsi %sub3A_100, %select_n3A_188 : i32
      %ne3A_190 = arith.constant 0 : i32
      %ne3A_191 = arith.cmpi ne, %rem3A_189, %ne3A_190 : i32
      %lt3A_192 = arith.constant 0 : i32
      %lt3A_193 = arith.cmpi slt, %rem3A_189, %lt3A_192 : i32
      %lt3A_194 = arith.constant 0 : i32
      %lt3A_195 = arith.cmpi slt, %select_n3A_188, %lt3A_194 : i32
      %ne3A_196 = arith.xori %lt3A_193, %lt3A_195 : i1
      %and3A_197 = arith.andi %ne3A_196, %ne3A_191 : i1
      %add3A_198 = arith.addi %rem3A_189, %select_n3A_188 : i32
      %select_n3A_199 = arith.select %and3A_197, %add3A_198, %rem3A_189 : i32
      %mul3A_200 = arith.constant 8192 : i32
      %mul3A_201 = arith.muli %select_n3A_199, %mul3A_200 : i32
      %add3A_202 = arith.addi %mul3A_183, %mul3A_201 : i32
      %dma_start3A_203 = tpu.memref_slice %arg9[%add3A_202] : memref<458752xf32, #tpu.memory_space<hbm>> -> memref<8192xf32, #tpu.memory_space<hbm>>
      %dma_start3A_204 = tpu.memref_slice %arg9[%add3A_202] : memref<458752xf32, #tpu.memory_space<hbm>> -> memref<8192xf32, #tpu.memory_space<hbm>>
      tpu.enqueue_dma source(%arg15 : memref<8192xf32, #tpu.memory_space<vmem>>) target(%dma_start3A_204 : memref<8192xf32, #tpu.memory_space<hbm>>) target_semaphore(%arg18 : memref<!tpu.dma_semaphore, #tpu.memory_space<semaphore_mem>>)
    } else {
    }
    %ge3A_69 = arith.constant 22 : i32
    %ge3A_70 = arith.cmpi sge, %add3A, %ge3A_69 : i32
    %lt3A_71 = arith.constant 24 : i32
    %lt3A_72 = arith.cmpi slt, %add3A, %lt3A_71 : i32
    %and3A_73 = arith.andi %ge3A_70, %lt3A_72 : i1
    %convert_element_type3A_74 = arith.extui %and3A_73 : i1 to i32
    %cond3A_75 = arith.constant 0 : i32
    %cond3A_76 = arith.cmpi ne, %convert_element_type3A_74, %cond3A_75 : i32
    scf.if %cond3A_76 {
      %dma_wait3A_99 = arith.constant 0 : i32
      %dma_wait3A_100 = tpu.memref_slice %arg5[%dma_wait3A_99] : memref<16384xf32, #tpu.memory_space<hbm>> -> memref<8192xf32, #tpu.memory_space<hbm>>
      %dma_wait3A_101 = arith.constant 0 : i32
      %dma_wait3A_102 = tpu.memref_slice %arg5[%dma_wait3A_101] : memref<16384xf32, #tpu.memory_space<hbm>> -> memref<8192xf32, #tpu.memory_space<hbm>>
      tpu.wait_dma2 semaphore(%arg17 : memref<!tpu.dma_semaphore, #tpu.memory_space<semaphore_mem>>) src(%dma_wait3A_102 : memref<8192xf32, #tpu.memory_space<hbm>>) dst(%arg15 : memref<8192xf32, #tpu.memory_space<vmem>>)
      %sub3A_103 = arith.constant 22 : i32
      %sub3A_104 = arith.subi %add3A, %sub3A_103 : i32
      %mul3A_105 = arith.constant 8192 : i32
      %mul3A_106 = arith.muli %sub3A_104, %mul3A_105 : i32
      %add3A_107 = arith.constant 442368 : i32
      %add3A_108 = arith.addi %add3A_107, %mul3A_106 : i32
      %dma_start3A_109 = tpu.memref_slice %arg9[%add3A_108] : memref<458752xf32, #tpu.memory_space<hbm>> -> memref<8192xf32, #tpu.memory_space<hbm>>
      %dma_start3A_110 = tpu.memref_slice %arg9[%add3A_108] : memref<458752xf32, #tpu.memory_space<hbm>> -> memref<8192xf32, #tpu.memory_space<hbm>>
      tpu.enqueue_dma source(%arg15 : memref<8192xf32, #tpu.memory_space<vmem>>) target(%dma_start3A_110 : memref<8192xf32, #tpu.memory_space<hbm>>) target_semaphore(%arg18 : memref<!tpu.dma_semaphore, #tpu.memory_space<semaphore_mem>>)
    } else {
    }
    %mul3A_77 = arith.constant 24000 : i32
    %mul3A_78 = arith.muli %select_n3A, %mul3A_77 : i32
    %dma_wait3A = tpu.memref_slice %arg6[%mul3A_78] : memref<384000xf32, #tpu.memory_space<hbm>> -> memref<24000xf32, #tpu.memory_space<hbm>>
    %dma_wait3A_79 = tpu.memref_slice %arg6[%mul3A_78] : memref<384000xf32, #tpu.memory_space<hbm>> -> memref<24000xf32, #tpu.memory_space<hbm>>
    tpu.wait_dma2 semaphore(%arg16 : memref<!tpu.dma_semaphore, #tpu.memory_space<semaphore_mem>>) src(%dma_wait3A_79 : memref<24000xf32, #tpu.memory_space<hbm>>) dst(%arg11 : memref<24000xf32, #tpu.memory_space<vmem>>)
    %dma_wait3A_80 = tpu.memref_slice %arg2[%mul3A_32] : memref<16384xi32, #tpu.memory_space<hbm>> -> memref<8192xi32, #tpu.memory_space<hbm>>
    %dma_wait3A_81 = tpu.memref_slice %arg2[%mul3A_32] : memref<16384xi32, #tpu.memory_space<hbm>> -> memref<8192xi32, #tpu.memory_space<hbm>>
    tpu.wait_dma2 semaphore(%arg16 : memref<!tpu.dma_semaphore, #tpu.memory_space<semaphore_mem>>) src(%dma_wait3A_81 : memref<8192xi32, #tpu.memory_space<hbm>>) dst(%arg10 : memref<8192xi32, #tpu.memory_space<vmem>>)
    %parallel_loop3A = arith.constant 0 : i32
    %parallel_loop3A_82 = arith.constant 512 : i32
    %parallel_loop3A_83 = arith.constant 1 : i32
    scf.for %parallel_loop3A_99 = %parallel_loop3A to %parallel_loop3A_82 step %parallel_loop3A_83  : i32 {
      %parallel_loop3A_100 = arith.constant 16 : i32
      %parallel_loop3A_101 = arith.muli %parallel_loop3A_99, %parallel_loop3A_100 : i32
      %parallel_loop3A_102 = arith.index_cast %parallel_loop3A_101 : i32 to index
      %parallel_loop3A_103 = tpu.vector_load %arg10[%parallel_loop3A_102] {strides = array<i32>} : memref<8192xi32, #tpu.memory_space<vmem>>, vector<16xi32>,
      %parallel_loop3A_104 = tpu.vector_load_idx %arg11[%parallel_loop3A_103] : memref<24000xf32, #tpu.memory_space<vmem>>[vector<16xi32>], vector<16xf32>,
      %parallel_loop3A_105 = arith.index_cast %parallel_loop3A_101 : i32 to index
      %parallel_loop3A_106 = tpu.vector_load %arg12[%parallel_loop3A_105] {strides = array<i32>} : memref<8192xf32, #tpu.memory_space<vmem>>, vector<16xf32>,
      tpu.vector_store %arg12[%parallel_loop3A_105], %parallel_loop3A_104 {strides = array<i32>} : memref<8192xf32, #tpu.memory_space<vmem>>, vector<16xf32>,
    } {sc.loop_unroll_factor = 8 : i64, sc.parallel_access}
    %mul3A_84 = arith.constant 16384 : i32
    %mul3A_85 = arith.muli %select_n3A, %mul3A_84 : i32
    %add3A_86 = arith.addi %mul3A_85, %mul3A_32 : i32
    %dma_start3A_87 = tpu.memref_slice %arg9[%add3A_86] : memref<458752xf32, #tpu.memory_space<hbm>> -> memref<8192xf32, #tpu.memory_space<hbm>>
    %dma_start3A_88 = tpu.memref_slice %arg9[%add3A_86] : memref<458752xf32, #tpu.memory_space<hbm>> -> memref<8192xf32, #tpu.memory_space<hbm>>
    tpu.enqueue_dma source(%arg12 : memref<8192xf32, #tpu.memory_space<vmem>>) target(%dma_start3A_88 : memref<8192xf32, #tpu.memory_space<hbm>>) target_semaphore(%arg18 : memref<!tpu.dma_semaphore, #tpu.memory_space<semaphore_mem>>)
    %lt3A_89 = arith.constant 24 : i32
    %lt3A_90 = arith.cmpi slt, %add3A, %lt3A_89 : i32
    %convert_element_type3A_91 = arith.extui %lt3A_90 : i1 to i32
    %cond3A_92 = arith.constant 0 : i32
    %cond3A_93 = arith.cmpi ne, %convert_element_type3A_91, %cond3A_92 : i32
    scf.if %cond3A_93 {
      %dma_wait3A_99 = arith.constant 0 : i32
      %dma_wait3A_100 = tpu.memref_slice %arg9[%dma_wait3A_99] : memref<458752xf32, #tpu.memory_space<hbm>> -> memref<8192xf32, #tpu.memory_space<hbm>>
      %dma_wait3A_101 = arith.constant 0 : i32
      %dma_wait3A_102 = tpu.memref_slice %arg9[%dma_wait3A_101] : memref<458752xf32, #tpu.memory_space<hbm>> -> memref<8192xf32, #tpu.memory_space<hbm>>
      tpu.wait_dma2 semaphore(%arg18 : memref<!tpu.dma_semaphore, #tpu.memory_space<semaphore_mem>>) src(%arg15 : memref<8192xf32, #tpu.memory_space<vmem>>) dst(%dma_wait3A_102 : memref<8192xf32, #tpu.memory_space<hbm>>)
    } else {
    }
    %mul3A_94 = arith.constant 16384 : i32
    %mul3A_95 = arith.muli %select_n3A, %mul3A_94 : i32
    %add3A_96 = arith.addi %mul3A_95, %mul3A_32 : i32
    %dma_wait3A_97 = tpu.memref_slice %arg9[%add3A_96] : memref<458752xf32, #tpu.memory_space<hbm>> -> memref<8192xf32, #tpu.memory_space<hbm>>
    %dma_wait3A_98 = tpu.memref_slice %arg9[%add3A_96] : memref<458752xf32, #tpu.memory_space<hbm>> -> memref<8192xf32, #tpu.memory_space<hbm>>
    tpu.wait_dma2 semaphore(%arg18 : memref<!tpu.dma_semaphore, #tpu.memory_space<semaphore_mem>>) src(%arg12 : memref<8192xf32, #tpu.memory_space<vmem>>) dst(%dma_wait3A_98 : memref<8192xf32, #tpu.memory_space<hbm>>)
    return
  }
}

module attributes {stable_mosaic.version = 14 : i64} {
  func.func @_prep(%arg0: memref<16x24000xf32, #tpu.memory_space<vmem>>, %arg1: memref<8x1440xf32, #tpu.memory_space<vmem>>, %arg2: memref<3x7xf32, #tpu.memory_space<vmem>>, %arg3: memref<384000xf32, #tpu.memory_space<vmem>>, %arg4: memref<11520xf32, #tpu.memory_space<vmem>>, %arg5: memref<24xf32, #tpu.memory_space<vmem>>) attributes {dimension_semantics = [], scalar_prefetch = 0 : i64, scratch_operands = 0 : i64, tpu.core_type = #tpu.core_type<tc>} {
    %get3A = arith.constant 0 : index
    %get3A_0 = arith.constant 0 : index
    %get3A_1 = vector.load %arg0[%get3A, %get3A_0] : memref<16x24000xf32, #tpu.memory_space<vmem>>, vector<1x24000xf32>
    %get3A_2 = vector.shape_cast %get3A_1 : vector<1x24000xf32> to vector<24000xf32>
    %swap3A = arith.constant 0 : index
    %swap3A_3 = vector.load %arg3[%swap3A] : memref<384000xf32, #tpu.memory_space<vmem>>, vector<24000xf32>
    tpu.vector_store %arg3[%swap3A], %get3A_2 {strides = array<i32>} : memref<384000xf32, #tpu.memory_space<vmem>>, vector<24000xf32>,
    %get3A_4 = arith.constant 1 : index
    %get3A_5 = arith.constant 0 : index
    %get3A_6 = vector.load %arg0[%get3A_4, %get3A_5] : memref<16x24000xf32, #tpu.memory_space<vmem>>, vector<1x24000xf32>
    %get3A_7 = vector.shape_cast %get3A_6 : vector<1x24000xf32> to vector<24000xf32>
    %swap3A_8 = arith.constant 24000 : index
    %swap3A_9 = vector.load %arg3[%swap3A_8] : memref<384000xf32, #tpu.memory_space<vmem>>, vector<24000xf32>
    tpu.vector_store %arg3[%swap3A_8], %get3A_7 {strides = array<i32>} : memref<384000xf32, #tpu.memory_space<vmem>>, vector<24000xf32>,
    %get3A_10 = arith.constant 2 : index
    %get3A_11 = arith.constant 0 : index
    %get3A_12 = vector.load %arg0[%get3A_10, %get3A_11] : memref<16x24000xf32, #tpu.memory_space<vmem>>, vector<1x24000xf32>
    %get3A_13 = vector.shape_cast %get3A_12 : vector<1x24000xf32> to vector<24000xf32>
    %swap3A_14 = arith.constant 48000 : index
    %swap3A_15 = vector.load %arg3[%swap3A_14] : memref<384000xf32, #tpu.memory_space<vmem>>, vector<24000xf32>
    tpu.vector_store %arg3[%swap3A_14], %get3A_13 {strides = array<i32>} : memref<384000xf32, #tpu.memory_space<vmem>>, vector<24000xf32>,
    %get3A_16 = arith.constant 3 : index
    %get3A_17 = arith.constant 0 : index
    %get3A_18 = vector.load %arg0[%get3A_16, %get3A_17] : memref<16x24000xf32, #tpu.memory_space<vmem>>, vector<1x24000xf32>
    %get3A_19 = vector.shape_cast %get3A_18 : vector<1x24000xf32> to vector<24000xf32>
    %swap3A_20 = arith.constant 72000 : index
    %swap3A_21 = vector.load %arg3[%swap3A_20] : memref<384000xf32, #tpu.memory_space<vmem>>, vector<24000xf32>
    tpu.vector_store %arg3[%swap3A_20], %get3A_19 {strides = array<i32>} : memref<384000xf32, #tpu.memory_space<vmem>>, vector<24000xf32>,
    %get3A_22 = arith.constant 4 : index
    %get3A_23 = arith.constant 0 : index
    %get3A_24 = vector.load %arg0[%get3A_22, %get3A_23] : memref<16x24000xf32, #tpu.memory_space<vmem>>, vector<1x24000xf32>
    %get3A_25 = vector.shape_cast %get3A_24 : vector<1x24000xf32> to vector<24000xf32>
    %swap3A_26 = arith.constant 96000 : index
    %swap3A_27 = vector.load %arg3[%swap3A_26] : memref<384000xf32, #tpu.memory_space<vmem>>, vector<24000xf32>
    tpu.vector_store %arg3[%swap3A_26], %get3A_25 {strides = array<i32>} : memref<384000xf32, #tpu.memory_space<vmem>>, vector<24000xf32>,
    %get3A_28 = arith.constant 5 : index
    %get3A_29 = arith.constant 0 : index
    %get3A_30 = vector.load %arg0[%get3A_28, %get3A_29] : memref<16x24000xf32, #tpu.memory_space<vmem>>, vector<1x24000xf32>
    %get3A_31 = vector.shape_cast %get3A_30 : vector<1x24000xf32> to vector<24000xf32>
    %swap3A_32 = arith.constant 120000 : index
    %swap3A_33 = vector.load %arg3[%swap3A_32] : memref<384000xf32, #tpu.memory_space<vmem>>, vector<24000xf32>
    tpu.vector_store %arg3[%swap3A_32], %get3A_31 {strides = array<i32>} : memref<384000xf32, #tpu.memory_space<vmem>>, vector<24000xf32>,
    %get3A_34 = arith.constant 6 : index
    %get3A_35 = arith.constant 0 : index
    %get3A_36 = vector.load %arg0[%get3A_34, %get3A_35] : memref<16x24000xf32, #tpu.memory_space<vmem>>, vector<1x24000xf32>
    %get3A_37 = vector.shape_cast %get3A_36 : vector<1x24000xf32> to vector<24000xf32>
    %swap3A_38 = arith.constant 144000 : index
    %swap3A_39 = vector.load %arg3[%swap3A_38] : memref<384000xf32, #tpu.memory_space<vmem>>, vector<24000xf32>
    tpu.vector_store %arg3[%swap3A_38], %get3A_37 {strides = array<i32>} : memref<384000xf32, #tpu.memory_space<vmem>>, vector<24000xf32>,
    %get3A_40 = arith.constant 7 : index
    %get3A_41 = arith.constant 0 : index
    %get3A_42 = vector.load %arg0[%get3A_40, %get3A_41] : memref<16x24000xf32, #tpu.memory_space<vmem>>, vector<1x24000xf32>
    %get3A_43 = vector.shape_cast %get3A_42 : vector<1x24000xf32> to vector<24000xf32>
    %swap3A_44 = arith.constant 168000 : index
    %swap3A_45 = vector.load %arg3[%swap3A_44] : memref<384000xf32, #tpu.memory_space<vmem>>, vector<24000xf32>
    tpu.vector_store %arg3[%swap3A_44], %get3A_43 {strides = array<i32>} : memref<384000xf32, #tpu.memory_space<vmem>>, vector<24000xf32>,
    %get3A_46 = arith.constant 8 : index
    %get3A_47 = arith.constant 0 : index
    %get3A_48 = vector.load %arg0[%get3A_46, %get3A_47] : memref<16x24000xf32, #tpu.memory_space<vmem>>, vector<1x24000xf32>
    %get3A_49 = vector.shape_cast %get3A_48 : vector<1x24000xf32> to vector<24000xf32>
    %swap3A_50 = arith.constant 192000 : index
    %swap3A_51 = vector.load %arg3[%swap3A_50] : memref<384000xf32, #tpu.memory_space<vmem>>, vector<24000xf32>
    tpu.vector_store %arg3[%swap3A_50], %get3A_49 {strides = array<i32>} : memref<384000xf32, #tpu.memory_space<vmem>>, vector<24000xf32>,
    %get3A_52 = arith.constant 9 : index
    %get3A_53 = arith.constant 0 : index
    %get3A_54 = vector.load %arg0[%get3A_52, %get3A_53] : memref<16x24000xf32, #tpu.memory_space<vmem>>, vector<1x24000xf32>
    %get3A_55 = vector.shape_cast %get3A_54 : vector<1x24000xf32> to vector<24000xf32>
    %swap3A_56 = arith.constant 216000 : index
    %swap3A_57 = vector.load %arg3[%swap3A_56] : memref<384000xf32, #tpu.memory_space<vmem>>, vector<24000xf32>
    tpu.vector_store %arg3[%swap3A_56], %get3A_55 {strides = array<i32>} : memref<384000xf32, #tpu.memory_space<vmem>>, vector<24000xf32>,
    %get3A_58 = arith.constant 10 : index
    %get3A_59 = arith.constant 0 : index
    %get3A_60 = vector.load %arg0[%get3A_58, %get3A_59] : memref<16x24000xf32, #tpu.memory_space<vmem>>, vector<1x24000xf32>
    %get3A_61 = vector.shape_cast %get3A_60 : vector<1x24000xf32> to vector<24000xf32>
    %swap3A_62 = arith.constant 240000 : index
    %swap3A_63 = vector.load %arg3[%swap3A_62] : memref<384000xf32, #tpu.memory_space<vmem>>, vector<24000xf32>
    tpu.vector_store %arg3[%swap3A_62], %get3A_61 {strides = array<i32>} : memref<384000xf32, #tpu.memory_space<vmem>>, vector<24000xf32>,
    %get3A_64 = arith.constant 11 : index
    %get3A_65 = arith.constant 0 : index
    %get3A_66 = vector.load %arg0[%get3A_64, %get3A_65] : memref<16x24000xf32, #tpu.memory_space<vmem>>, vector<1x24000xf32>
    %get3A_67 = vector.shape_cast %get3A_66 : vector<1x24000xf32> to vector<24000xf32>
    %swap3A_68 = arith.constant 264000 : index
    %swap3A_69 = vector.load %arg3[%swap3A_68] : memref<384000xf32, #tpu.memory_space<vmem>>, vector<24000xf32>
    tpu.vector_store %arg3[%swap3A_68], %get3A_67 {strides = array<i32>} : memref<384000xf32, #tpu.memory_space<vmem>>, vector<24000xf32>,
    %get3A_70 = arith.constant 12 : index
    %get3A_71 = arith.constant 0 : index
    %get3A_72 = vector.load %arg0[%get3A_70, %get3A_71] : memref<16x24000xf32, #tpu.memory_space<vmem>>, vector<1x24000xf32>
    %get3A_73 = vector.shape_cast %get3A_72 : vector<1x24000xf32> to vector<24000xf32>
    %swap3A_74 = arith.constant 288000 : index
    %swap3A_75 = vector.load %arg3[%swap3A_74] : memref<384000xf32, #tpu.memory_space<vmem>>, vector<24000xf32>
    tpu.vector_store %arg3[%swap3A_74], %get3A_73 {strides = array<i32>} : memref<384000xf32, #tpu.memory_space<vmem>>, vector<24000xf32>,
    %get3A_76 = arith.constant 13 : index
    %get3A_77 = arith.constant 0 : index
    %get3A_78 = vector.load %arg0[%get3A_76, %get3A_77] : memref<16x24000xf32, #tpu.memory_space<vmem>>, vector<1x24000xf32>
    %get3A_79 = vector.shape_cast %get3A_78 : vector<1x24000xf32> to vector<24000xf32>
    %swap3A_80 = arith.constant 312000 : index
    %swap3A_81 = vector.load %arg3[%swap3A_80] : memref<384000xf32, #tpu.memory_space<vmem>>, vector<24000xf32>
    tpu.vector_store %arg3[%swap3A_80], %get3A_79 {strides = array<i32>} : memref<384000xf32, #tpu.memory_space<vmem>>, vector<24000xf32>,
    %get3A_82 = arith.constant 14 : index
    %get3A_83 = arith.constant 0 : index
    %get3A_84 = vector.load %arg0[%get3A_82, %get3A_83] : memref<16x24000xf32, #tpu.memory_space<vmem>>, vector<1x24000xf32>
    %get3A_85 = vector.shape_cast %get3A_84 : vector<1x24000xf32> to vector<24000xf32>
    %swap3A_86 = arith.constant 336000 : index
    %swap3A_87 = vector.load %arg3[%swap3A_86] : memref<384000xf32, #tpu.memory_space<vmem>>, vector<24000xf32>
    tpu.vector_store %arg3[%swap3A_86], %get3A_85 {strides = array<i32>} : memref<384000xf32, #tpu.memory_space<vmem>>, vector<24000xf32>,
    %get3A_88 = arith.constant 15 : index
    %get3A_89 = arith.constant 0 : index
    %get3A_90 = vector.load %arg0[%get3A_88, %get3A_89] : memref<16x24000xf32, #tpu.memory_space<vmem>>, vector<1x24000xf32>
    %get3A_91 = vector.shape_cast %get3A_90 : vector<1x24000xf32> to vector<24000xf32>
    %swap3A_92 = arith.constant 360000 : index
    %swap3A_93 = vector.load %arg3[%swap3A_92] : memref<384000xf32, #tpu.memory_space<vmem>>, vector<24000xf32>
    tpu.vector_store %arg3[%swap3A_92], %get3A_91 {strides = array<i32>} : memref<384000xf32, #tpu.memory_space<vmem>>, vector<24000xf32>,
    %get3A_94 = arith.constant 0 : index
    %get3A_95 = arith.constant 0 : index
    %get3A_96 = vector.load %arg1[%get3A_94, %get3A_95] : memref<8x1440xf32, #tpu.memory_space<vmem>>, vector<1x1440xf32>
    %get3A_97 = vector.shape_cast %get3A_96 : vector<1x1440xf32> to vector<1440xf32>
    %swap3A_98 = arith.constant 0 : index
    %swap3A_99 = vector.load %arg4[%swap3A_98] : memref<11520xf32, #tpu.memory_space<vmem>>, vector<1440xf32>
    tpu.vector_store %arg4[%swap3A_98], %get3A_97 {strides = array<i32>} : memref<11520xf32, #tpu.memory_space<vmem>>, vector<1440xf32>,
    %get3A_100 = arith.constant 1 : index
    %get3A_101 = arith.constant 0 : index
    %get3A_102 = vector.load %arg1[%get3A_100, %get3A_101] : memref<8x1440xf32, #tpu.memory_space<vmem>>, vector<1x1440xf32>
    %get3A_103 = vector.shape_cast %get3A_102 : vector<1x1440xf32> to vector<1440xf32>
    %swap3A_104 = arith.constant 1440 : index
    %swap3A_105 = vector.load %arg4[%swap3A_104] : memref<11520xf32, #tpu.memory_space<vmem>>, vector<1440xf32>
    tpu.vector_store %arg4[%swap3A_104], %get3A_103 {strides = array<i32>} : memref<11520xf32, #tpu.memory_space<vmem>>, vector<1440xf32>,
    %get3A_106 = arith.constant 2 : index
    %get3A_107 = arith.constant 0 : index
    %get3A_108 = vector.load %arg1[%get3A_106, %get3A_107] : memref<8x1440xf32, #tpu.memory_space<vmem>>, vector<1x1440xf32>
    %get3A_109 = vector.shape_cast %get3A_108 : vector<1x1440xf32> to vector<1440xf32>
    %swap3A_110 = arith.constant 2880 : index
    %swap3A_111 = vector.load %arg4[%swap3A_110] : memref<11520xf32, #tpu.memory_space<vmem>>, vector<1440xf32>
    tpu.vector_store %arg4[%swap3A_110], %get3A_109 {strides = array<i32>} : memref<11520xf32, #tpu.memory_space<vmem>>, vector<1440xf32>,
    %get3A_112 = arith.constant 3 : index
    %get3A_113 = arith.constant 0 : index
    %get3A_114 = vector.load %arg1[%get3A_112, %get3A_113] : memref<8x1440xf32, #tpu.memory_space<vmem>>, vector<1x1440xf32>
    %get3A_115 = vector.shape_cast %get3A_114 : vector<1x1440xf32> to vector<1440xf32>
    %swap3A_116 = arith.constant 4320 : index
    %swap3A_117 = vector.load %arg4[%swap3A_116] : memref<11520xf32, #tpu.memory_space<vmem>>, vector<1440xf32>
    tpu.vector_store %arg4[%swap3A_116], %get3A_115 {strides = array<i32>} : memref<11520xf32, #tpu.memory_space<vmem>>, vector<1440xf32>,
    %get3A_118 = arith.constant 4 : index
    %get3A_119 = arith.constant 0 : index
    %get3A_120 = vector.load %arg1[%get3A_118, %get3A_119] : memref<8x1440xf32, #tpu.memory_space<vmem>>, vector<1x1440xf32>
    %get3A_121 = vector.shape_cast %get3A_120 : vector<1x1440xf32> to vector<1440xf32>
    %swap3A_122 = arith.constant 5760 : index
    %swap3A_123 = vector.load %arg4[%swap3A_122] : memref<11520xf32, #tpu.memory_space<vmem>>, vector<1440xf32>
    tpu.vector_store %arg4[%swap3A_122], %get3A_121 {strides = array<i32>} : memref<11520xf32, #tpu.memory_space<vmem>>, vector<1440xf32>,
    %get3A_124 = arith.constant 5 : index
    %get3A_125 = arith.constant 0 : index
    %get3A_126 = vector.load %arg1[%get3A_124, %get3A_125] : memref<8x1440xf32, #tpu.memory_space<vmem>>, vector<1x1440xf32>
    %get3A_127 = vector.shape_cast %get3A_126 : vector<1x1440xf32> to vector<1440xf32>
    %swap3A_128 = arith.constant 7200 : index
    %swap3A_129 = vector.load %arg4[%swap3A_128] : memref<11520xf32, #tpu.memory_space<vmem>>, vector<1440xf32>
    tpu.vector_store %arg4[%swap3A_128], %get3A_127 {strides = array<i32>} : memref<11520xf32, #tpu.memory_space<vmem>>, vector<1440xf32>,
    %get3A_130 = arith.constant 6 : index
    %get3A_131 = arith.constant 0 : index
    %get3A_132 = vector.load %arg1[%get3A_130, %get3A_131] : memref<8x1440xf32, #tpu.memory_space<vmem>>, vector<1x1440xf32>
    %get3A_133 = vector.shape_cast %get3A_132 : vector<1x1440xf32> to vector<1440xf32>
    %swap3A_134 = arith.constant 8640 : index
    %swap3A_135 = vector.load %arg4[%swap3A_134] : memref<11520xf32, #tpu.memory_space<vmem>>, vector<1440xf32>
    tpu.vector_store %arg4[%swap3A_134], %get3A_133 {strides = array<i32>} : memref<11520xf32, #tpu.memory_space<vmem>>, vector<1440xf32>,
    %get3A_136 = arith.constant 7 : index
    %get3A_137 = arith.constant 0 : index
    %get3A_138 = vector.load %arg1[%get3A_136, %get3A_137] : memref<8x1440xf32, #tpu.memory_space<vmem>>, vector<1x1440xf32>
    %get3A_139 = vector.shape_cast %get3A_138 : vector<1x1440xf32> to vector<1440xf32>
    %swap3A_140 = arith.constant 10080 : index
    %swap3A_141 = vector.load %arg4[%swap3A_140] : memref<11520xf32, #tpu.memory_space<vmem>>, vector<1440xf32>
    tpu.vector_store %arg4[%swap3A_140], %get3A_139 {strides = array<i32>} : memref<11520xf32, #tpu.memory_space<vmem>>, vector<1440xf32>,
    %get3A_142 = arith.constant 0 : index
    %get3A_143 = arith.constant 0 : index
    %get3A_144 = vector.load %arg2[%get3A_142, %get3A_143] : memref<3x7xf32, #tpu.memory_space<vmem>>, vector<1x7xf32>
    %get3A_145 = vector.shape_cast %get3A_144 : vector<1x7xf32> to vector<7xf32>
    %swap3A_146 = arith.constant 0 : index
    %swap3A_147 = vector.load %arg5[%swap3A_146] : memref<24xf32, #tpu.memory_space<vmem>>, vector<7xf32>
    tpu.vector_store %arg5[%swap3A_146], %get3A_145 {strides = array<i32>} : memref<24xf32, #tpu.memory_space<vmem>>, vector<7xf32>,
    %get3A_148 = arith.constant 1 : index
    %get3A_149 = arith.constant 0 : index
    %get3A_150 = vector.load %arg2[%get3A_148, %get3A_149] : memref<3x7xf32, #tpu.memory_space<vmem>>, vector<1x7xf32>
    %get3A_151 = vector.shape_cast %get3A_150 : vector<1x7xf32> to vector<7xf32>
    %swap3A_152 = arith.constant 8 : index
    %swap3A_153 = vector.load %arg5[%swap3A_152] : memref<24xf32, #tpu.memory_space<vmem>>, vector<7xf32>
    tpu.vector_store %arg5[%swap3A_152], %get3A_151 {strides = array<i32>} : memref<24xf32, #tpu.memory_space<vmem>>, vector<7xf32>,
    %get3A_154 = arith.constant 2 : index
    %get3A_155 = arith.constant 0 : index
    %get3A_156 = vector.load %arg2[%get3A_154, %get3A_155] : memref<3x7xf32, #tpu.memory_space<vmem>>, vector<1x7xf32>
    %get3A_157 = vector.shape_cast %get3A_156 : vector<1x7xf32> to vector<7xf32>
    %swap3A_158 = arith.constant 16 : index
    %swap3A_159 = vector.load %arg5[%swap3A_158] : memref<24xf32, #tpu.memory_space<vmem>>, vector<7xf32>
    tpu.vector_store %arg5[%swap3A_158], %get3A_157 {strides = array<i32>} : memref<24xf32, #tpu.memory_space<vmem>>, vector<7xf32>,
    return
  }
}

</mosaic_0001>

<sc_bundles>
// kernel: _run.4.cloned.1.call-start
scs
__scs_entry_jumppad:
0x0: {  	(pc) =	sbr.rel $0x88, $3  }
0x1: {  	(tag) =	ssettag $0x0;
	lr =	simm.s32 $0x1  }
0x2: {  	[smem:$0x3F9A] =	sst lr;
	_ =	strace $0xD0000000  }
0x3: {  	_ = 	snop  }
0x4: {  	_ = 	snop  }
0x5: {  	_ = 	snop  }
0x6: {  	_ = 	snop  }
0x7: {  	_ = 	snop  }
__scs_overlays_trampoline_lowered:
0x8: {  	[smem:$0x3FA9] =	sst s0  }
0x9: {  	[smem:$0x3FAA] =	sst s1  }
0xa: {  	[smem:$0x3FAB] =	sst s2  }
0xb: {  	[smem:$0x3FAC] =	sst s3  }
0xc: {  	[smem:$0x3FAD] =	sst s4  }
0xd: {  	[smem:$0x3FAE] =	sst s5  }
0xe: {  	[smem:$0x3FAF] =	sst s6  }
0xf: {  	[smem:$0x3FB0] =	sst s7  }
0x10: {  	[smem:$0x3FB1] =	sst s8  }
0x11: {  	[smem:$0x3FB2] =	sst s9;
	s0 =	simm.s32 @!p0 $0x0  }
0x12: {  	s1 =	sld [smem:$0x3F98];
	s0 =	simm.s32 @p0 $0x1  }
0x13: {  	[smem:$0x3FB3] =	sst s0;
	s0 =	simm.s32 @!p1 $0x0  }
0x14: {  	s2 =	sld [smem:$0x3F97];
	s0 =	simm.s32 @p1 $0x1  }
0x15: {  	[smem:$0x3FB4] =	sst s0;
	s0 =	simm.s32 @!p2 $0x0  }
0x16: {  	s3 =	sld [smem:$0x3FDB];
	s0 =	simm.s32 @p2 $0x1  }
0x17: {  	s4 =	simm.s32 $0x1BF5;
	[smem:$0x3FB6] =	sst s0  }
0x18: {  	s0 =	sld [smem:$0x3F99];
	_ =	swait.ge [sflag:s4], $0x0  }
0x19: {  	s7 =	sld [smem:$0x3F9A]  }
0x1a: {  	s8 =	sadd.s32 $0xFFFFE003, lr  }
0x1b: {  	s9 =	sadd.s32 $0xFFFFFEF7, lr;
	s5 =	simm.s32 $0xFFFFFFFF;
	p2 =	slt.u32 s8, $0xFFFFF086  }
0x1c: {  	p1 =	slt.u32 s9, $0xF7A;
	s5 =	simm.s32 @!p2 $0x0  }
0x1d: {  	s5 =	simm.s32 @p1 $0x1;
	p0 =	seq.s32 s7, s2  }
0x1e: {  	s7 =	smul.u32 @!p0 $0xF7A, s2;
	p2 =	seq.s32 @!p0 s5, $0x0  }
0x1f: {  	s9 =	smul.u32 $0xF7A, s1;
	s8 =	simm.s32 @!p0 $0x1BF5;
	p2 =	por !p2, p0  }
0x20: {  	[sflag:s8] =	ssyncset.s32 @!p0 $0xFFFFF086;
	s6 =	sadd.s32 @!p0 s3, s7;
	s7 =	simm.s32 @!p0 $0x108  }
0x21: {  	s3 =	sadd.s32 s3, s9;
	s6 =	sadd.s32 @!p0 $0x88, s6;
	s7 =	simm.s32 @p2 $0x1082  }
0x22: {  	[simem:s7], [sflag:s8] =	dma.local @!p0 [hbm:s6], $0xF7A  }
0x23: {  	s9 =	sor.u32 $0xD0000000, s2;
	s6 =	simm.s32 $0x108;
	_ =	swait.ge @!p0 [sflag:s8], $0x0  }
0x24: {  	s3 =	sadd.s32 $0x88, s3;
	s6 =	simm.s32 @!p1 $0x1082;
	[sflag:s4] =	ssyncset.s32 $0xFFFFF086  }
0x25: {  	[simem:s6], [sflag:s4] =	dma.local [hbm:s3], $0xF7A  }
0x26: {  	[smem:$0x3F9A] =	sst s1;
	(tag) =	ssettag s2;
	_ =	strace s9  }
0x27: {  	s1 =	sld [smem:$0x3FAA]  }
0x28: {  	s2 =	sld [smem:$0x3FAB]  }
0x29: {  	s4 =	sld [smem:$0x3FAD]  }
0x2a: {  	p0 =	seq.s32 s5, $0x0;
	s5 =	sld [smem:$0x3FAE]  }
0x2b: {  	s6 =	sld [smem:$0x3FAF]  }
0x2c: {  	s7 =	sld [smem:$0x3FB0]  }
0x2d: {  	s3 =	simm.s32 $0x108;
	s8 =	sld [smem:$0x3FB1]  }
0x2e: {  	s3 =	simm.s32 @!p0 $0x1082;
	s9 =	sld [smem:$0x3FB2]  }
0x2f: {  	lr =	sadd.s32 s0, s3;
	s0 =	sld [smem:$0x3FA9]  }
0x30: {  	s3 =	sld [smem:$0x3FAC]  }
0x31: {  	[smem:$0x3FB5] =	sst s10  }
0x32: {  	s10 =	sld [smem:$0x3FB3];
	_ =	sdelay $0x3  }
0x33: {  	p0 =	seq.s32 s10, $0x1;
	s10 =	sld [smem:$0x3FB5];
	_ =	sdelay $0x3  }
0x34: {  	[smem:$0x3FB5] =	sst s10  }
0x35: {  	s10 =	sld [smem:$0x3FB4];
	_ =	sdelay $0x3  }
0x36: {  	p1 =	seq.s32 s10, $0x1;
	s10 =	sld [smem:$0x3FB5];
	_ =	sdelay $0x3  }
0x37: {  	[smem:$0x3FB5] =	sst s10  }
0x38: {  	s10 =	sld [smem:$0x3FB6]  }
0x39: {  	_ = 	snop;
	(pc) =	sbr.ind lr, $3  }
0x3a: {  	_ = 	snop  }
0x3b: {  	_ = 	snop  }
0x3c: {  	p2 =	seq.s32 s10, $0x1;
	s10 =	sld [smem:$0x3FB5]  }
0x3d: {  	_ =	shalt  }
0x3e: {  	_ =	shalt  }
0x3f: {  	_ =	shalt  }
0x40: {  	_ =	shalt  }
0x41: {  	_ =	shalt  }
0x42: {  	_ =	shalt  }
0x43: {  	_ =	shalt  }
0x44: {  	_ =	shalt  }
0x45: {  	_ =	shalt  }
0x46: {  	_ =	shalt  }
0x47: {  	_ =	shalt  }
0x48: {  	_ =	shalt  }
0x49: {  	_ =	shalt  }
0x4a: {  	_ =	shalt  }
0x4b: {  	_ =	shalt  }
0x4c: {  	_ =	shalt  }
0x4d: {  	_ =	shalt  }
0x4e: {  	_ =	shalt  }
0x4f: {  	_ =	shalt  }
0x50: {  	_ =	shalt  }
0x51: {  	_ =	shalt  }
0x52: {  	_ =	shalt  }
0x53: {  	_ =	shalt  }
0x54: {  	_ =	shalt  }
0x55: {  	_ =	shalt  }
0x56: {  	_ =	shalt  }
0x57: {  	_ =	shalt  }
0x58: {  	_ =	shalt  }
0x59: {  	_ =	shalt  }
0x5a: {  	_ =	shalt  }
0x5b: {  	_ =	shalt  }
0x5c: {  	_ =	shalt  }
0x5d: {  	_ =	shalt  }
0x5e: {  	_ =	shalt  }
0x5f: {  	_ =	shalt  }
0x60: {  	_ =	shalt  }
0x61: {  	_ =	shalt  }
0x62: {  	_ =	shalt  }
0x63: {  	_ =	shalt  }
0x64: {  	_ =	shalt  }
0x65: {  	_ =	shalt  }
0x66: {  	_ =	shalt  }
0x67: {  	_ =	shalt  }
0x68: {  	_ =	shalt  }
0x69: {  	_ =	shalt  }
0x6a: {  	_ =	shalt  }
0x6b: {  	_ =	shalt  }
0x6c: {  	_ =	shalt  }
0x6d: {  	_ =	shalt  }
0x6e: {  	_ =	shalt  }
0x6f: {  	_ =	shalt  }
0x70: {  	_ =	shalt  }
0x71: {  	_ =	shalt  }
0x72: {  	_ =	shalt  }
0x73: {  	_ =	shalt  }
0x74: {  	_ =	shalt  }
0x75: {  	_ =	shalt  }
0x76: {  	_ =	shalt  }
0x77: {  	_ =	shalt  }
0x78: {  	_ =	shalt  }
0x79: {  	_ =	shalt  }
0x7a: {  	_ =	shalt  }
0x7b: {  	_ =	shalt  }
0x7c: {  	_ =	shalt  }
0x7d: {  	_ =	shalt  }
0x7e: {  	_ =	shalt  }
0x7f: {  	_ =	shalt  }
0x80: {  	_ =	shalt  }
0x81: {  	_ =	shalt  }
0x82: {  	_ =	shalt  }
0x83: {  	_ =	shalt  }
0x84: {  	_ =	shalt  }
0x85: {  	_ =	shalt  }
0x86: {  	_ =	shalt  }
0x87: {  	_ =	shalt  }
.Lfunc_end0:
.L_simem_size_0:
called_computation_lowered:
.L_overlay_start_0:
0x88: {  	s2 =	sld [smem:$0x3FD9]  }
0x89: {  	s3 =	sld [smem:$0x3FFE];
	_ =	sdelay $0x1  }
0x8a: {  	s1 =	srdreg.scid  }
0x8b: {  	s0 =	sand.u32 $0x1, s1  }
0x8c: {  	s17 =	sshll.u32 s0, $0xA;
	s2 =	sadd.s32 s3, s2  }
0x8d: {  	s2 =	sadd.s32 s2, s17  }
0x8e: {  	[smem:$0x3FC1] =	sst s2  }
0x8f: {  	_ = 	snop  }
0x90: {  	s2 =	sld [smem:$0x3FC9]  }
0x91: {  	s18 =	sld [smem:$0x3FC8]  }
0x92: {  	s4 =	sld [smem:$0x3FC7]  }
0x93: {  	s5 =	sld [smem:$0x3FC6]  }
0x94: {  	s6 =	sld [smem:$0x3FD0];
	(tm) =	ssettm $0x1  }
0x95: {  	s7 =	sld [smem:$0x3FFB];
	_ =	sdelay $0x3  }
0x96: {  	_ =	strace s7  }
0x97: {  	s7 =	sld [smem:$0x3FFC];
	_ =	sdelay $0x3  }
0x98: {  	_ =	strace s7  }
0x99: {  	s7 =	sld [smem:$0x3FFD];
	_ =	sdelay $0x3  }
0x9a: {  	_ =	strace s7  }
0x9b: {  	_ =	strace $0x8FFFFFFF  }
0x9c: {  	s19 =	sld [smem:$0x3FDB];
	_ =	sdelay $0x1  }
0x9d: {  	s8 =	simm.s32 $_scs_section_size  }
0x9e: {  	s9 =	simm.s32 $_size__tile_overlayer_lowered;
	s10 =	simm.s32 $_tile_overlayer_lowered  }
0x9f: {  	s22 =	simm.s32 $0x1BFF;
	s21 =	sshll.u32 s10, $0x1;
	s7 =	sadd.s32 s8, s19  }
0xa0: {  	s11 =	simm.s32 $0x0;
	s20 =	sshll.u32 s9, $0x1;
	s9 =	sadd.s32 s21, s7  }
0xa1: {  	[timem:s11], [sflag:s22] =	dma.local [hbm:s9], s20  }
0xa2: {  	_ =	swait.ge [sflag:s22], s20  }
0xa3: {  	s8 =	ssub.s32 $0x0, s20;
	[sflag:s22] =	ssyncset.done $0x0  }
0xa4: {  	[sflag:s22] =	ssyncadd.s32 s8;
	_ =	sdelay $0x1  }
0xa5: {  	s23 =	simm.s32 $0x1B8B  }
0xa6: {  	_ =	swait.ge [sflag:s23], $0x1  }
0xa7: {  	[sflag:s23] =	ssyncset.done $0x0  }
0xa8: {  	s25 =	simm.s32 $0x1B8E;
	s24 =	sld [smem:$0x3FFE];
	[sflag:s23] =	ssyncadd.s32 $0xFFFFFFFF  }
0xa9: {  	s26 =	simm.s32 $execute0_lowered;
	[smem:$0x3FD2] =	sst s25  }
0xaa: {  	s9 =	sshll.u32 s26, $0x1;
	_ =	strace $0x80000046;
	[dreg:$0x1] =	wrdreg $0xFFFFFFFF  }
0xab: {  	s28 =	simm.s32 $_size_execute0_lowered;
	s7 =	sadd.s32 s7, s9;
	[dreg:$0x0] =	wrdreg $0x0  }
0xac: {  	s9 =	sshll.u32 s28, $0x1;
	[dreg:$0x2] =	wrdreg s7  }
0xad: {  	[dreg:$0x3] =	wrdreg s9  }
0xae: {  	[dreg:$0x4] =	wrdreg $0xC0  }
0xaf: {  	_ =	task [dreg:s11], $0x5FFFF  }
0xb0: {  	[dreg:$0x1] =	wrdreg $0xFFFFFFFF  }
0xb1: {  	[dreg:$0x0] =	wrdreg $0x60  }
0xb2: {  	[dreg:$0x2] =	wrdreg s2  }
0xb3: {  	[dreg:$0x3] =	wrdreg s18  }
0xb4: {  	[dreg:$0x4] =	wrdreg s4  }
0xb5: {  	[dreg:$0x5] =	wrdreg s5  }
0xb6: {  	[dreg:$0x6] =	wrdreg s6  }
0xb7: {  	[dreg:$0x7] =	wrdreg s24  }
0xb8: {  	[dreg:$0x8] =	wrdreg $0x9  }
0xb9: {  	_ =	task.clear_ibuf [dreg:s11], $0x9FFFF;
	_ =	strace $0x90000046  }
0xba: {  	s29 =	simm.s32 $0x9;
	_ =	strace $0x80000048  }
0xbb: {  	_ =	swait.ge [sflag:s29], $0x1  }
0xbc: {  	[sflag:s29] =	ssyncadd.s32 $0xFFFFFFFF  }
0xbd: {  	_ =	strace $0x90000048  }
0xbe: {  	_ =	sfence  }
0xbf: {  	s30 =	sld [smem:$0x0];
	_ =	sdelay $0x2  }
0xc0: {  	s31 =	sshll.u32 s1, $0xD;
	s1 =	sshrl.u32 s1, $0x2  }
0xc1: {  	s3 =	sand.u32 $0x4000, s31;
	s1 =	sadd.s32 s1, s30  }
0xc2: {  	s0 =	sor.u32 s3, s0;
	s1 =	sshll.u32 s1, $0x11  }
0xc3: {  	s0 =	sor.u32 s1, s0  }
0xc4: {  	s0 =	sadd.s32 $0x8F2B, s0  }
0xc5: {  	[sflag:s0] =	ssyncadd.remote.s32 $0x1  }
0xc6: {  	_ =	sfence.sel $0xFFFF  }
0xc7: {  	[dreg:$0x0] =	wrdreg $0xFFFFFFFF;
	(pc) =	sbr.abs _section_cstart, $3  }
0xc8: {  	[dreg:$0x1] =	wrdreg $0xFFFFFFFF  }
0xc9: {  	_ =	task.clear_ibuf [dreg:s11], $0x2FFFF;
	_ =	strace $0x9FFFFFFF  }
0xca: {  	(tm) =	ssettm $0x7FFFFFFF  }
0xcb: {  	_ =	shalt  }
tec
execute0_lowered:
.L_overlay_start_1:
0x0: {  	(tag) =	ssettag $0x1  }
0x1: {  	s5 =	rddreg [dreg:$0x0]  }
0x2: {  	s9 =	rddreg [dreg:$0x1]  }
0x3: {  	s7 =	rddreg [dreg:$0x2]  }
0x4: {  	s11 =	rddreg [dreg:$0x3]  }
0x5: {  	s1 =	srdreg.scid;
	s6 =	rddreg [dreg:$0x4]  }
0x6: {  	s0 =	stileid.u32;
	s10 =	rddreg [dreg:$0x5];
	s2 =	simm.s32 $0x1  }
0x7: {  	s3 =	simm.s32 $0x1;
	s22 =	simm.s32 $0x0;
	s4 =	sand.u32 $0x1, s1  }
0x8: {  	s8 =	sshll.u32 s0, $0x1;
	s1 =	rddreg [dreg:$0x6];
	s19 =	sadd.s32 $0x1A00, s10  }
0x9: {  	p3 =	sgt.u32 s0, $0xB;
	s12 =	sor.u32 s4, s8;
	p0 =	seq.s32 s4, $0x1  }
0xa: {  	s17 =	ssub.s32 $0x2, s4;
	s26 =	sshll.u32 s4, $0xA;
	s20 =	sshll.u32 s4, $0xD  }
0xb: {  	s21 =	sadd.s32 $0xFFFFFFF0, s8;
	p1 =	slt.u32 s12, $0x11;
	p2 =	seq.s32 s12, $0x0  }
0xc: {  	s24 =	sshrl.u32 s17, $0x1;
	s5 =	sadd.s32 s5, s26;
	s7 =	sadd.s32 s7, s26  }
0xd: {  	s9 =	sadd.s32 s9, s26;
	s30 =	sshll.u32 s12, $0xD;
	s12 =	sshll.u32 s12, $0xA  }
0xe: {  	p1 =	por !p1, !p0;
	p0 =	por !p2, !p0;
	s17 =	ssub.s32 s17, s24  }
0xf: {  	s31 =	sadd.s32 s12, s19;
	p1 =	por !p1, !p1;
	p0 =	por !p0, !p0  }
0x10: {  	p2 =	sne.s32 s0, $0xB;
	s2 =	simm.s32 @!p1 $0x0;
	s3 =	simm.s32 @!p0 $0x0  }
0x11: {  	p0 =	sgt.u32 s0, $0x7;
	p1 =	sgt.u32 s21, $0x5;
	s21 =	simm.s32 $0x3  }
0x12: {  	s13 =	ssub.s32 s0, s2;
	s2 =	simm.s32 $0x0;
	s15 =	ssub.s32 s0, s3  }
0x13: {  	s3 =	simm.s32 $0x1;
	s14 =	sadd.s32 $0x1FFFFFF8, s13;
	s16 =	smul.u32 $0x5A0, s15  }
0x14: {  	[smem:$0x7FF] =	sst s2;
	s18 =	smul.u32 $0x5DC0, s15;
	s28 =	sshll.u32 s15, $0xE  }
0x15: {  	s15 =	sadd.s32 $0xFFFD4000, s30;
	s13 =	sshll.u32 s13, $0xE;
	s14 =	sand.u32 $0x1FFFFFFF, s14  }
0x16: {  	_ =	strace $0x80000047;
	s29 =	sor.u32 s20, s28;
	s15 =	sshrl.u32 s15, $0x3  }
0x17: {  	s13 =	sor.u32 s20, s13;
	s20 =	simm.s32 $0x7DC0;
	s14 =	sadd.s32 s14, s10  }
0x18: {  	s16 =	sshrl.u32 s16, $0x3;
	s25 =	sshrl.u32 s18, $0x3;
	s11 =	sadd.s32 s11, s15  }
0x19: {  	s13 =	sadd.s32 $0x20000, s13;
	s15 =	smax.u32 s17, $0x1;
	s17 =	simm.s32 $0xC360  }
0x1a: {  	s18 =	simm.s32 $0x2;
	s16 =	sadd.s32 s16, s10;
	s4 =	sadd.s32 s6, s25  }
0x1b: {  	s8 =	sadd.s32 $0x1800, s14;
	s10 =	sadd.s32 $0x4C000, s29;
	s13 =	sshrl.u32 s13, $0x3  }
0x1c: {  	s14 =	sshrl.u32 s29, $0x3;
	s6 =	sadd.s32 $0x1200, s16;
	s10 =	sshrl.u32 s10, $0x3  }
0x1d: {  	s12 =	sadd.s32 s19, s13;
	s13 =	sadd.s32 $0x8000, s31;
	s14 =	sadd.s32 s19, s14  }
0x1e: {  	s16 =	simm.s32 $0x2000;
	s10 =	sadd.s32 s19, s10;
	s19 =	simm.s32 $0xBDC0  }
.LBB2_1:
0x1f: {  	[tilespmem:s16], [sflag:$0x1] =	stream.linear.gather [hbm4b:s4+s2], $0x5DC0, $0x38;
	[tilespmem:$0xE360] =	vst v63  }
0x20: {  	_ = 	snop  }
0x21: {  	[tilespmem:s2], [sflag:$0x1] =	stream.linear.gather [hbm4b:s5+s2], $0x2000, $0x38;
	[tilespmem:$0xE360] =	vst v63  }
0x22: {  	s23 =	simm.s32 @!p0 $0x0;
	s24 =	simm.s32 @!p0 $0xBDC0  }
0x23: {  	[tilespmem:s24], [sflag:$0x2] =	stream.linear.gather @!p0 [hbm4b:s6+s23], $0x5A0, $0x38;
	[tilespmem:$0xE360] =	vst v63  }
0x24: {  	s24 =	simm.s32 @!p0 $0x9DC0  }
0x25: {  	[tilespmem:s24], [sflag:$0x2] =	stream.linear.gather @!p0 [hbm4b:s7+s23], $0x2000, $0x38;
	[tilespmem:$0xE360] =	vst v63  }
.Ltmp0:
0x26: {  	_ = 	snop;
	(pc) =	sbr.rel @p2 .LBB2_3-.Ltmp0, $4  }
0x27: {  	s23 =	simm.s32 @!p1 $0x0;
	s24 =	simm.s32 @!p1 $0xBDC0  }
0x28: {  	[tilespmem:s24], [sflag:$0x2] =	stream.linear.gather @!p1 [hbm4b:s8+s23], $0x7, $0x38;
	[tilespmem:$0xE360] =	vst v63  }
0x29: {  	s24 =	simm.s32 @!p1 $0x9DC0  }
0x2a: {  	[tilespmem:s24], [sflag:$0x2] =	stream.linear.gather @!p1 [hbm4b:s9+s23], $0x2000, $0x38;
	[tilespmem:$0xE360] =	vst v63  }
.Ltmp1:
0x2b: {  	(pc) =	sbr.rel .LBB2_7-.Ltmp1, $2  }
0x2c: {  	_ =	sdelay $0x2  }
0x2d: {  	[tilespmem:s17], [sflag:$0x2] =	stream.linear.gather [hbm4b:s11+s2], $0x2000, $0x38;
	[tilespmem:$0xE360] =	vst v63  }
.LBB2_3:
.Ltmp2:
0x2e: {  	(pc) =	sbr.rel @p0 .LBB2_7-.Ltmp2, $1  }
0x2f: {  	_ =	sdelay $0x3  }
0x30: {  	_ =	swait.ge [sflag:s18], $0x5A0  }
0x31: {  	[sflag:s18] =	ssyncset.done $0x0  }
0x32: {  	[sflag:s18] =	ssyncadd.s32 $0xFFFFFA60  }
0x33: {  	_ =	swait.ge [sflag:s18], $0x2000  }
0x34: {  	[sflag:s18] =	ssyncset.done $0x0  }
0x35: {  	s23 =	simm.s32 $0x9E00;
	[sflag:s18] =	ssyncadd.s32 $0xFFFFE000  }
0x36: {  	v0 =	vld [tilespmem:s23+$0x30]  }
0x37: {  	v1 =	vld [tilespmem:s23+$0xFFFFFFD0]  }
0x38: {  	v2 =	vld [tilespmem:s23+$0xFFFFFFE0]  }
0x39: {  	v3 =	vld [tilespmem:s23+$0xFFFFFFF0]  }
0x3a: {  	v4 =	vld [tilespmem:s23+$0x0]  }
0x3b: {  	v6 =	vld [tilespmem:s23+$0x10]  }
0x3c: {  	v7 =	vld [tilespmem:s23+$0x20]  }
0x3d: {  	v8 =	vld [tilespmem:s23+$0xFFFFFFC0]  }
0x3e: {  	v9 =	vld.idx.msk [tilespmem:v0+s19+$0x0], $0xffff  }
0x3f: {  	v10 =	vld.idx.msk [tilespmem:v1+s19+$0x0], $0xffff  }
0x40: {  	v5 =	vld.idx.msk [tilespmem:v2+s19+$0x0], $0xffff  }
0x41: {  	v3 =	vld.idx.msk [tilespmem:v3+s19+$0x0], $0xffff  }
0x42: {  	v0 =	vld.idx.msk [tilespmem:v4+s19+$0x0], $0xffff  }
0x43: {  	s23 =	simm.s32 $0xC3A0;
	v1 =	vld.idx.msk [tilespmem:v6+s19+$0x0], $0xffff  }
0x44: {  	v2 =	vld.idx.msk [tilespmem:v7+s19+$0x0], $0xffff;
	[tilespmem:s23+$0x30] =	vst v9  }
0x45: {  	s24 =	simm.s32 $0x0;
	s25 =	simm.s32 $0x9E80;
	v4 =	vld.idx.msk [tilespmem:v8+s19+$0x0], $0xffff;
	[tilespmem:s23+$0xFFFFFFD0] =	vst v10  }
.LBB2_5:
0x46: {  	v6 =	vld [tilespmem:s25+$0x30];
	s24 =	sadd.s32 $0x8, s24;
	[tilespmem:s23+$0xFFFFFFE0] =	vst v5  }
0x47: {  	v5 =	vld [tilespmem:s25+$0xFFFFFFD0];
	p4 =	slt.u32 s24, $0x1F8;
	[tilespmem:s23+$0xFFFFFFF0] =	vst v3  }
0x48: {  	v3 =	vld [tilespmem:s25+$0xFFFFFFE0];
	[tilespmem:s23+$0x0] =	vst v0  }
0x49: {  	v0 =	vld [tilespmem:s25+$0xFFFFFFF0];
	[tilespmem:s23+$0x10] =	vst v1  }
0x4a: {  	v1 =	vld [tilespmem:s25+$0x0];
	[tilespmem:s23+$0x20] =	vst v2  }
0x4b: {  	v2 =	vld [tilespmem:s25+$0x10];
	[tilespmem:s23+$0xFFFFFFC0] =	vst v4  }
0x4c: {  	v4 =	vld [tilespmem:s25+$0x20]  }
0x4d: {  	v7 =	vld [tilespmem:s25+$0xFFFFFFC0]  }
0x4e: {  	v6 =	vld.idx.msk [tilespmem:v6+s19+$0x0], $0xffff  }
0x4f: {  	v8 =	vld.idx.msk [tilespmem:v5+s19+$0x0], $0xffff  }
0x50: {  	v5 =	vld.idx.msk [tilespmem:v3+s19+$0x0], $0xffff  }
.Ltmp3:
0x51: {  	v3 =	vld.idx.msk [tilespmem:v0+s19+$0x0], $0xffff;
	(pc) =	sbr.rel @p4 .LBB2_5-.Ltmp3, $4  }
0x52: {  	v0 =	vld.idx.msk [tilespmem:v1+s19+$0x0], $0xffff  }
0x53: {  	s23 =	sadd.s32 $0x80, s23;
	v1 =	vld.idx.msk [tilespmem:v2+s19+$0x0], $0xffff  }
0x54: {  	v2 =	vld.idx.msk [tilespmem:v4+s19+$0x0], $0xffff;
	[tilespmem:s23+$0x30] =	vst v6  }
0x55: {  	s25 =	sadd.s32 $0x80, s25;
	v4 =	vld.idx.msk [tilespmem:v7+s19+$0x0], $0xffff;
	[tilespmem:s23+$0xFFFFFFD0] =	vst v8  }
0x56: {  	[tilespmem:s23+$0xFFFFFFE0] =	vst v5  }
0x57: {  	[tilespmem:s23+$0xFFFFFFF0] =	vst v3  }
0x58: {  	[tilespmem:s23+$0x0] =	vst v0  }
0x59: {  	[tilespmem:s23+$0x10] =	vst v1  }
0x5a: {  	[tilespmem:s23+$0x20] =	vst v2  }
0x5b: {  	[tilespmem:s23+$0xFFFFFFC0] =	vst v4  }
0x5c: {  	[hbm4b:s10+s2] =	stream.linear.scatter [tilespmem:s17], [sflag:$0x3], $0x2000, $0x38;
	[tilespmem:$0xE360] =	vst v63  }
.LBB2_7:
.Ltmp4:
0x5d: {  	(pc) =	sbr.rel @p1 .LBB2_11-.Ltmp4, $1  }
0x5e: {  	_ =	sdelay $0x3  }
0x5f: {  	_ =	swait.ge [sflag:s18], $0x7  }
0x60: {  	[sflag:s18] =	ssyncset.done $0x0  }
0x61: {  	[sflag:s18] =	ssyncadd.s32 $0xFFFFFFF9  }
0x62: {  	_ =	swait.ge [sflag:s18], $0x2000  }
0x63: {  	[sflag:s18] =	ssyncset.done $0x0  }
0x64: {  	s23 =	simm.s32 $0x9E00;
	[sflag:s18] =	ssyncadd.s32 $0xFFFFE000  }
0x65: {  	v0 =	vld [tilespmem:s23+$0x30]  }
0x66: {  	v1 =	vld [tilespmem:s23+$0xFFFFFFD0]  }
0x67: {  	v2 =	vld [tilespmem:s23+$0xFFFFFFE0]  }
0x68: {  	v3 =	vld [tilespmem:s23+$0xFFFFFFF0]  }
0x69: {  	v4 =	vld [tilespmem:s23+$0x0]  }
0x6a: {  	v6 =	vld [tilespmem:s23+$0x10]  }
0x6b: {  	v7 =	vld [tilespmem:s23+$0x20]  }
0x6c: {  	v8 =	vld [tilespmem:s23+$0xFFFFFFC0]  }
0x6d: {  	v9 =	vld.idx.msk [tilespmem:v0+s19+$0x0], $0xffff  }
0x6e: {  	v10 =	vld.idx.msk [tilespmem:v1+s19+$0x0], $0xffff  }
0x6f: {  	v5 =	vld.idx.msk [tilespmem:v2+s19+$0x0], $0xffff  }
0x70: {  	v3 =	vld.idx.msk [tilespmem:v3+s19+$0x0], $0xffff  }
0x71: {  	v0 =	vld.idx.msk [tilespmem:v4+s19+$0x0], $0xffff  }
0x72: {  	s23 =	simm.s32 $0xC3A0;
	v1 =	vld.idx.msk [tilespmem:v6+s19+$0x0], $0xffff  }
0x73: {  	v2 =	vld.idx.msk [tilespmem:v7+s19+$0x0], $0xffff;
	[tilespmem:s23+$0x30] =	vst v9  }
0x74: {  	s24 =	simm.s32 $0x0;
	s25 =	simm.s32 $0x9E80;
	v4 =	vld.idx.msk [tilespmem:v8+s19+$0x0], $0xffff;
	[tilespmem:s23+$0xFFFFFFD0] =	vst v10  }
.LBB2_9:
0x75: {  	v6 =	vld [tilespmem:s25+$0x30];
	s24 =	sadd.s32 $0x8, s24;
	[tilespmem:s23+$0xFFFFFFE0] =	vst v5  }
0x76: {  	v5 =	vld [tilespmem:s25+$0xFFFFFFD0];
	p4 =	slt.u32 s24, $0x1F8;
	[tilespmem:s23+$0xFFFFFFF0] =	vst v3  }
0x77: {  	v3 =	vld [tilespmem:s25+$0xFFFFFFE0];
	[tilespmem:s23+$0x0] =	vst v0  }
0x78: {  	v0 =	vld [tilespmem:s25+$0xFFFFFFF0];
	[tilespmem:s23+$0x10] =	vst v1  }
0x79: {  	v1 =	vld [tilespmem:s25+$0x0];
	[tilespmem:s23+$0x20] =	vst v2  }
0x7a: {  	v2 =	vld [tilespmem:s25+$0x10];
	[tilespmem:s23+$0xFFFFFFC0] =	vst v4  }
0x7b: {  	v4 =	vld [tilespmem:s25+$0x20]  }
0x7c: {  	v7 =	vld [tilespmem:s25+$0xFFFFFFC0]  }
0x7d: {  	v6 =	vld.idx.msk [tilespmem:v6+s19+$0x0], $0xffff  }
0x7e: {  	v8 =	vld.idx.msk [tilespmem:v5+s19+$0x0], $0xffff  }
0x7f: {  	v5 =	vld.idx.msk [tilespmem:v3+s19+$0x0], $0xffff  }
.Ltmp5:
0x80: {  	v3 =	vld.idx.msk [tilespmem:v0+s19+$0x0], $0xffff;
	(pc) =	sbr.rel @p4 .LBB2_9-.Ltmp5, $4  }
0x81: {  	v0 =	vld.idx.msk [tilespmem:v1+s19+$0x0], $0xffff  }
0x82: {  	s23 =	sadd.s32 $0x80, s23;
	v1 =	vld.idx.msk [tilespmem:v2+s19+$0x0], $0xffff  }
0x83: {  	v2 =	vld.idx.msk [tilespmem:v4+s19+$0x0], $0xffff;
	[tilespmem:s23+$0x30] =	vst v6  }
0x84: {  	s25 =	sadd.s32 $0x80, s25;
	v4 =	vld.idx.msk [tilespmem:v7+s19+$0x0], $0xffff;
	[tilespmem:s23+$0xFFFFFFD0] =	vst v8  }
0x85: {  	[tilespmem:s23+$0xFFFFFFE0] =	vst v5  }
0x86: {  	[tilespmem:s23+$0xFFFFFFF0] =	vst v3  }
0x87: {  	[tilespmem:s23+$0x0] =	vst v0  }
0x88: {  	[tilespmem:s23+$0x10] =	vst v1  }
0x89: {  	[tilespmem:s23+$0x20] =	vst v2  }
0x8a: {  	[tilespmem:s23+$0xFFFFFFC0] =	vst v4  }
0x8b: {  	[hbm4b:s12+s2] =	stream.linear.scatter [tilespmem:s17], [sflag:$0x3], $0x2000, $0x38;
	[tilespmem:$0xE360] =	vst v63  }
.LBB2_11:
0x8c: {  	s23 =	simm.s32 @!p2 $0x2  }
0x8d: {  	_ =	swait.ge @!p2 [sflag:s23], $0x2000  }
0x8e: {  	[sflag:s23] =	ssyncset.done @!p2 $0x0  }
0x8f: {  	s24 =	simm.s32 @!p2 $0xC360;
	[sflag:s23] =	ssyncadd.s32 @!p2 $0xFFFFE000;
	s23 =	simm.s32 @!p2 $0x0  }
0x90: {  	[hbm4b:s13+s23] =	stream.linear.scatter @!p2 [tilespmem:s24], [sflag:$0x3], $0x2000, $0x38;
	[tilespmem:$0xE360] =	vst v63  }
0x91: {  	_ =	swait.ge [sflag:s3], $0x5DC0  }
0x92: {  	[sflag:s3] =	ssyncset.done $0x0  }
0x93: {  	[sflag:s3] =	ssyncadd.s32 $0xFFFFA240  }
0x94: {  	_ =	swait.ge [sflag:s3], $0x2000  }
0x95: {  	[sflag:s3] =	ssyncset.done $0x0  }
0x96: {  	s31 =	simm.s32 $0x40;
	[sflag:s3] =	ssyncadd.s32 $0xFFFFE000  }
0x97: {  	v0 =	vld [tilespmem:s31+$0x30]  }
0x98: {  	v1 =	vld [tilespmem:s31+$0xFFFFFFD0]  }
0x99: {  	v2 =	vld [tilespmem:s31+$0xFFFFFFE0]  }
0x9a: {  	v3 =	vld [tilespmem:s31+$0xFFFFFFF0]  }
0x9b: {  	v4 =	vld [tilespmem:s31+$0x0]  }
0x9c: {  	v6 =	vld [tilespmem:s31+$0x10]  }
0x9d: {  	v7 =	vld [tilespmem:s31+$0x20]  }
0x9e: {  	v8 =	vld [tilespmem:s31+$0xFFFFFFC0]  }
0x9f: {  	v9 =	vld.idx.msk [tilespmem:v0+s16+$0x0], $0xffff  }
0xa0: {  	v10 =	vld.idx.msk [tilespmem:v1+s16+$0x0], $0xffff  }
0xa1: {  	v5 =	vld.idx.msk [tilespmem:v2+s16+$0x0], $0xffff  }
0xa2: {  	v3 =	vld.idx.msk [tilespmem:v3+s16+$0x0], $0xffff  }
0xa3: {  	v0 =	vld.idx.msk [tilespmem:v4+s16+$0x0], $0xffff  }
0xa4: {  	s23 =	simm.s32 $0x7E00;
	v1 =	vld.idx.msk [tilespmem:v6+s16+$0x0], $0xffff  }
0xa5: {  	v2 =	vld.idx.msk [tilespmem:v7+s16+$0x0], $0xffff;
	[tilespmem:s23+$0x30] =	vst v9  }
0xa6: {  	s25 =	simm.s32 $0xC0;
	s24 =	simm.s32 $0x0;
	v4 =	vld.idx.msk [tilespmem:v8+s16+$0x0], $0xffff;
	[tilespmem:s23+$0xFFFFFFD0] =	vst v10  }
.LBB2_12:
0xa7: {  	v6 =	vld [tilespmem:s25+$0x30];
	s24 =	sadd.s32 $0x8, s24;
	[tilespmem:s23+$0xFFFFFFE0] =	vst v5  }
0xa8: {  	v5 =	vld [tilespmem:s25+$0xFFFFFFD0];
	p4 =	slt.u32 s24, $0x1F8;
	[tilespmem:s23+$0xFFFFFFF0] =	vst v3  }
0xa9: {  	v3 =	vld [tilespmem:s25+$0xFFFFFFE0];
	[tilespmem:s23+$0x0] =	vst v0  }
0xaa: {  	v0 =	vld [tilespmem:s25+$0xFFFFFFF0];
	[tilespmem:s23+$0x10] =	vst v1  }
0xab: {  	v1 =	vld [tilespmem:s25+$0x0];
	[tilespmem:s23+$0x20] =	vst v2  }
0xac: {  	v2 =	vld [tilespmem:s25+$0x10];
	[tilespmem:s23+$0xFFFFFFC0] =	vst v4  }
0xad: {  	v4 =	vld [tilespmem:s25+$0x20]  }
0xae: {  	v7 =	vld [tilespmem:s25+$0xFFFFFFC0]  }
0xaf: {  	v6 =	vld.idx.msk [tilespmem:v6+s16+$0x0], $0xffff  }
0xb0: {  	v8 =	vld.idx.msk [tilespmem:v5+s16+$0x0], $0xffff  }
0xb1: {  	v5 =	vld.idx.msk [tilespmem:v3+s16+$0x0], $0xffff  }
.Ltmp6:
0xb2: {  	v3 =	vld.idx.msk [tilespmem:v0+s16+$0x0], $0xffff;
	(pc) =	sbr.rel @p4 .LBB2_12-.Ltmp6, $4  }
0xb3: {  	v0 =	vld.idx.msk [tilespmem:v1+s16+$0x0], $0xffff  }
0xb4: {  	s23 =	sadd.s32 $0x80, s23;
	v1 =	vld.idx.msk [tilespmem:v2+s16+$0x0], $0xffff  }
0xb5: {  	v2 =	vld.idx.msk [tilespmem:v4+s16+$0x0], $0xffff;
	[tilespmem:s23+$0x30] =	vst v6  }
0xb6: {  	s25 =	sadd.s32 $0x80, s25;
	v4 =	vld.idx.msk [tilespmem:v7+s16+$0x0], $0xffff;
	[tilespmem:s23+$0xFFFFFFD0] =	vst v8  }
0xb7: {  	[tilespmem:s23+$0xFFFFFFE0] =	vst v5  }
0xb8: {  	[tilespmem:s23+$0xFFFFFFF0] =	vst v3  }
0xb9: {  	[tilespmem:s23+$0x0] =	vst v0  }
0xba: {  	[tilespmem:s23+$0x10] =	vst v1  }
0xbb: {  	[tilespmem:s23+$0x20] =	vst v2  }
0xbc: {  	s22 =	sadd.s32 $0x1, s22;
	[tilespmem:s23+$0xFFFFFFC0] =	vst v4;
	s23 =	simm.s32 @!p3 $0x3  }
0xbd: {  	[hbm4b:s14+s2] =	stream.linear.scatter [tilespmem:s20], [sflag:$0x3], $0x2000, $0x38;
	[tilespmem:$0xE360] =	vst v63  }
0xbe: {  	p4 =	sne.s32 s22, s15;
	_ =	swait.ge @!p3 [sflag:s23], $0x2000  }
.Ltmp7:
0xbf: {  	[sflag:s23] =	ssyncset.done @!p3 $0x0;
	(pc) =	sbr.rel @p4 .LBB2_1-.Ltmp7, $4  }
0xc0: {  	[sflag:s23] =	ssyncadd.s32 @!p3 $0xFFFFE000  }
0xc1: {  	_ =	swait.ge [sflag:s21], $0x2000  }
0xc2: {  	[sflag:s21] =	ssyncset.done $0x0  }
0xc3: {  	[sflag:s21] =	ssyncadd.s32 $0xFFFFE000  }
0xc4: {  	_ =	sfence.sel $0x180000  }
0xc5: {  	[bflag:$0x0] =	sbarrier.arrive $0xFFFF  }
0xc6: {  	p0 =	sne.s32 s0, $0x0;
	_ =	strace $0x90000047  }
0xc7: {  	s0 =	sadd.s32 @!p0 $0x100000, s1;
	[bflag:$0x2] =	sbarrier.arrive $0xFFFF  }
0xc8: {  	[sflag:s0] =	ssyncadd.tile.s32 @!p0 $0x1;
	_ =	shalt  }
.Lfunc_end2:
_tile_overlayer_lowered:
.L_overlay_start_2:
0xc9: {  	(tag) =	ssettag $0x2  }
0xca: {  	s0 =	rddreg [dreg:$0x0];
	s2 =	stileid.u32  }
0xcb: {  	s1 =	rddreg [dreg:$0x1];
	p0 =	sne.s32 s2, $0x0  }
0xcc: {  	s3 =	rddreg [dreg:$0x2];
	[bflag:$0x3] =	sbarrier.arrive $0xFFFF;
	s2 =	simm.s32 @!p0 $0x1C04  }
0xcd: {  	[timem:s3], [sflag:s2] =	dma.local @!p0 [hbm:s0], s1  }
0xce: {  	s0 =	simm.s32 @!p0 $0x4  }
0xcf: {  	_ =	swait.ge @!p0 [sflag:s0], s1  }
0xd0: {  	s1 =	ssub.s32 @!p0 $0x0, s1;
	[sflag:s0] =	ssyncset.done @!p0 $0x0  }
0xd1: {  	[sflag:s0] =	ssyncadd.s32 @!p0 s1  }
0xd2: {  	[bflag:$0x3] =	sbarrier.arrive $0xFFFF  }
0xd3: {  	_ =	shalt  }

</sc_bundles>
